<compile_context>
chip_gen: v7x
topology: tpu7x:2x2x1
jax: 0.10.2.dev20260603
libtpu: 0.0.44.dev20260713+nightly
codegen_flags: <defaults>
</compile_context>

<pallas_src>
import functools

import jax
import jax.numpy as jnp
from jax import lax
from jax.experimental import pallas as pl
from jax.experimental.pallas import tpu as pltpu
from jax.experimental.pallas import tpu_sc as plsc

D = 128
DA = 64
NCORE = 2
NSUB = 16
NW = NCORE * NSUB
C = 80


def _lrelu(t):
    return jnp.where(t >= 0, t, 0.01 * t)


def _sc_params():
    return pltpu.CompilerParams(needs_layout_passes=False,
                                use_tc_tiling_on_sc=False)


def _make_gather(NE, NQ, EPW, NCHUNK):
    mesh = plsc.VectorSubcoreMesh(core_axis_name="c", subcore_axis_name="s")
    f32 = jnp.float32
    bf16 = jnp.bfloat16

    @functools.partial(
        pl.kernel,
        out_type=tuple(jax.ShapeDtypeStruct((NE, D), f32) for _ in range(4)),
        mesh=mesh,
        scratch_types=[
            pltpu.VMEM((NQ,), jnp.int32),
            pltpu.VMEM((2, C), jnp.int32),
            pltpu.VMEM((2, C), jnp.int32),
            pltpu.VMEM((2, C), jnp.int32),
            pltpu.VMEM((2, C), jnp.int32),
            pltpu.VMEM((2, C), jnp.int32),
            pltpu.VMEM((2, C, D), f32),
            pltpu.VMEM((2, C, D), f32),
            pltpu.VMEM((2, C, D), f32),
            pltpu.VMEM((2, C, D), f32),
            pltpu.SemaphoreType.DMA,
            pltpu.SemaphoreType.DMA,
            pltpu.SemaphoreType.DMA,
        ],
        compiler_params=_sc_params(),
    )
    def gather_k(rel_hbm, hid_hbm, p1_hbm, qrel_hbm, ec2, ec6, esub, erel,
                 o_rel, o_hs, o_qr, o_p1,
                 qrelv, c2v, c6v, subv, relv, qidxv,
                 b_rel, b_hs, b_qr, b_p1, sem_e, sem_g, sem_w):
        wid = lax.axis_index("s") * NCORE + lax.axis_index("c")
        base = wid * EPW
        pltpu.sync_copy(qrel_hbm, qrelv)
        bufs = (b_rel, b_hs, b_qr, b_p1)
        tabs = (rel_hbm, hid_hbm, rel_hbm, p1_hbm)
        idxs = (c2v, subv, qidxv, c6v)
        outs = (o_rel, o_hs, o_qr, o_p1)
        cols = (ec2, ec6, esub, erel)
        colbufs = (c2v, c6v, subv, relv)

        def fetch_idx(k, b):
            off = base + k * C
            for col, cb in zip(cols, colbufs):
                pltpu.async_copy(col.at[pl.ds(off, C)], cb.at[b], sem_e)

        def wait_idx(b):
            for col, cb in zip(cols, colbufs):
                pltpu.make_async_copy(col.at[pl.ds(0, C)], cb.at[b], sem_e).wait()

        fetch_idx(0, 0)

        def chunk(k, carry):
            p = lax.rem(k, 2)
            q = 1 - p
            off = base + k * C
            wait_idx(p)

            @pl.when(k >= 1)
            def _():
                for b in bufs:
                    pltpu.make_async_copy(o_hs.at[pl.ds(0, C)], b.at[q],
                                          sem_g).wait()

            @pl.when(k + 1 < NCHUNK)
            def _():
                fetch_idx(k + 1, q)

            pp = jnp.full((16,), p, jnp.int32)
            for j in range(C // 16):
                lanes = lax.iota(jnp.int32, 16) + j * 16
                r16 = plsc.load_gather(relv, [pp, lanes])
                qidxv[p, pl.ds(j * 16, 16)] = plsc.load_gather(qrelv, [r16])

            @pl.when(k >= 2)
            def _():
                for b in bufs:
                    pltpu.make_async_copy(b.at[p], o_hs.at[pl.ds(0, C)],
                                          sem_w).wait()

            @pl.when(k >= 1)
            def _():
                for b, o in zip(bufs, outs):
                    pltpu.async_copy(b.at[q], o.at[pl.ds(off - C, C)], sem_w)

            for t, i, b in zip(tabs, idxs, bufs):
                pltpu.async_copy(t.at[i.at[p]], b.at[p], sem_g)
            return carry

        lax.fori_loop(0, NCHUNK, chunk, 0)
        pl_ = (NCHUNK - 1) % 2
        lastoff = base + (NCHUNK - 1) * C
        for b in bufs:
            pltpu.make_async_copy(o_hs.at[pl.ds(0, C)], b.at[pl_], sem_g).wait()
        for b, o in zip(bufs, outs):
            pltpu.async_copy(b.at[pl_], o.at[pl.ds(lastoff, C)], sem_w)
        for _ in range(2):
            for b in bufs:
                pltpu.make_async_copy(b.at[0], o_hs.at[pl.ds(0, C)], sem_w).wait()

    return gather_k


def _p1_body(pe, f1bc, fb1, o):
    o[...] = jnp.dot(pe[...], f1bc[...], preferred_element_type=jnp.float32) + fb1[...]


def _dense_body(e_rel, e_hs, e_qr, e_p1,
                f1a, fw2, fb2,
                wg1, wg2, wg3, gb, wht1, wht2, htb,
                ws, wr, wqr, qrb, wal, o_msg):
    dot = functools.partial(jnp.dot, preferred_element_type=jnp.float32)
    rel = e_rel[...]
    hs = e_hs[...]
    qr = e_qr[...]
    h1 = _lrelu(dot(rel, f1a[...]) + e_p1[...])
    fused = _lrelu(dot(h1, fw2[...]) + fb2[...])
    hr = fused + rel
    g = 0.5 * jnp.tanh(0.5 * (dot(hr, wg1[...]) + dot(qr, wg2[...])
                              + dot(hs, wg3[...]) + gb[...])) + 0.5
    u = g[:, :D]
    rst = g[:, D:]
    cand = jnp.tanh(dot(hr, wht1[...]) + dot(rst * hs, wht2[...]) + htb[...])
    msg = (1.0 - u) * hs + u * cand
    apre = _lrelu(dot(hs, ws[...]) + dot(hr, wr[...]) + dot(qr, wqr[...])
                  + qrb[...])
    alpha = jnp.sum(apre * wal[...], axis=1, keepdims=True)
    o_msg[...] = (0.5 * jnp.tanh(0.5 * alpha) + 0.5) * msg


def _make_scatter(NE, NNP, EPW, NCHUNK):
    mesh = plsc.VectorSubcoreMesh(core_axis_name="c", subcore_axis_name="s")
    f32 = jnp.float32
    ROWS = NNP // NSUB

    @functools.partial(
        pl.kernel,
        out_type=jax.ShapeDtypeStruct((NCORE, NNP, D), f32),
        mesh=mesh,
        scratch_types=[
            pltpu.VMEM_SHARED((NNP, D), f32),
            pltpu.VMEM((2, C), jnp.int32),
            pltpu.VMEM((2, C, D), f32),
            pltpu.SemaphoreType.DMA,
            pltpu.SemaphoreType.DMA,
        ],
        compiler_params=_sc_params(),
    )
    def scat_k(msg_hbm, obj_hbm, zero_hbm, out_hbm, acc, objv, msgv,
               sem_e, sem_m):
        cid = lax.axis_index("c")
        sid = lax.axis_index("s")
        wid = sid * NCORE + cid
        base = wid * EPW
        pltpu.async_copy(obj_hbm.at[pl.ds(base, C)], objv.at[0], sem_e)
        pltpu.async_copy(msg_hbm.at[pl.ds(base, C)], msgv.at[0], sem_m)
        pltpu.sync_copy(zero_hbm.at[pl.ds(sid * ROWS, ROWS)],
                        acc.at[pl.ds(sid * ROWS, ROWS)])
        plsc.subcore_barrier()

        def chunk(k, carry):
            p = lax.rem(k, 2)
            q = 1 - p
            off = base + k * C
            pltpu.make_async_copy(obj_hbm.at[pl.ds(off, C)],
                                  objv.at[p], sem_e).wait()
            pltpu.make_async_copy(msg_hbm.at[pl.ds(off, C)],
                                  msgv.at[p], sem_m).wait()

            @pl.when(k + 1 < NCHUNK)
            def _():
                pltpu.async_copy(obj_hbm.at[pl.ds(off + C, C)],
                                 objv.at[q], sem_e)
                pltpu.async_copy(msg_hbm.at[pl.ds(off + C, C)],
                                 msgv.at[q], sem_m)

            pltpu.sync_copy(msgv.at[p], acc.at[objv.at[p]], add=True)
            return carry

        lax.fori_loop(0, NCHUNK, chunk, 0)
        plsc.subcore_barrier()
        pltpu.sync_copy(acc.at[pl.ds(sid * ROWS, ROWS)],
                        out_hbm.at[cid, pl.ds(sid * ROWS, ROWS)])

    return scat_k


def _final_body(pp, wh, o):
    p = pp[0] + pp[1]
    o[...] = jnp.dot(p, wh[...], preferred_element_type=jnp.float32)


def kernel(q_sub, q_rel, hidden, edges, n_node, time_stamp, rel_table, pe_rel,
           pe_abs, gate_W_w, gate_W_b, gate_ht_w, gate_ht_b, fuse_w1, fuse_b1,
           fuse_w2, fuse_b2, Ws_w, Wr_w, Wqr_w, Wqr_b, walpha_w, Wh_w):
    f32 = jnp.float32
    bf16 = jnp.bfloat16
    NE = edges.shape[0]
    NN = hidden.shape[0]
    NQ = q_rel.shape[0]
    NT = pe_rel.shape[0]
    DP = pe_rel.shape[1]
    EPW = NE // NW
    NCHUNK = EPW // C

    et = jnp.transpose(edges.astype(jnp.int32))
    ec2, ec6, esub, erel = et[2], et[6], et[4], et[0]
    eobj = et[5] % jnp.asarray(n_node, jnp.int32)
    qrel_i = q_rel.astype(jnp.int32)

    pe_cat = jnp.concatenate(
        [pe_rel, pe_abs[jnp.asarray(time_stamp, jnp.int32) - jnp.arange(NT)]],
        axis=1)
    F1bc = fuse_w1[D:]
    BP = 2000
    p1 = pl.pallas_call(
        _p1_body,
        grid=(NT // BP,),
        in_specs=[pl.BlockSpec((BP, 2 * DP), lambda i: (i, 0)),
                  pl.BlockSpec((2 * DP, D), lambda i: (0, 0)),
                  pl.BlockSpec((1, D), lambda i: (0, 0))],
        out_specs=pl.BlockSpec((BP, D), lambda i: (i, 0)),
        out_shape=jax.ShapeDtypeStruct((NT, D), f32),
    )(pe_cat, F1bc, fuse_b1.reshape(1, D))

    gather_k = _make_gather(NE, NQ, EPW, NCHUNK)
    e_rel, e_hs, e_qr, e_p1 = gather_k(rel_table, hidden, p1, qrel_i,
                                       ec2, ec6, esub, erel)

    BT = 1280
    grid = (NE // BT,)
    F1a = fuse_w1[:D]
    fw2_16 = fuse_w2
    Wg1 = gate_W_w[:D]
    Wg2 = gate_W_w[D:2 * D]
    Wg3 = gate_W_w[2 * D:]
    Wht1 = gate_ht_w[:D]
    Wht2 = gate_ht_w[D:]
    row = lambda v: v.reshape(1, -1)

    def eb(w, dt):
        return pl.BlockSpec((BT, w), lambda i: (i, 0))

    def full(a):
        return pl.BlockSpec(a.shape, lambda i: (0,) * a.ndim)

    wargs = (F1a, fw2_16, row(fuse_b2),
             Wg1, Wg2, Wg3, row(gate_W_b), Wht1, Wht2, row(gate_ht_b),
             Ws_w, Wr_w, Wqr_w,
             row(Wqr_b), row(walpha_w[:, 0]))
    e_msg = pl.pallas_call(
        _dense_body,
        grid=grid,
        in_specs=[eb(D, f32), eb(D, f32), eb(D, f32), eb(D, f32)]
                 + [full(w) for w in wargs],
        out_specs=eb(D, f32),
        out_shape=jax.ShapeDtypeStruct((NE, D), f32),
    )(e_rel, e_hs, e_qr, e_p1, *wargs)

    NNP = ((NN + 1279) // 1280) * 1280
    scat_k = _make_scatter(NE, NNP, EPW, NCHUNK)
    zeros = jnp.zeros((NNP, D), f32)
    partials = scat_k(e_msg, eobj, zeros)

    BF = 1280
    out = pl.pallas_call(
        _final_body,
        grid=(NNP // BF,),
        in_specs=[pl.BlockSpec((NCORE, BF, D), lambda i: (0, i, 0)),
                  pl.BlockSpec((D, D), lambda i: (0, 0))],
        out_specs=pl.BlockSpec((BF, D), lambda i: (i, 0)),
        out_shape=jax.ShapeDtypeStruct((NNP, D), f32),
    )(partials, Wh_w)
    return out[:NN]

# --- scband reference (transcript-rebuilt; emitter-appended) ---
"""Pipeline reference for scband-timeline-gnnlayer7-39410619908408 (READ-ONLY COPY).

The authoritative reference and input builder live on the scoring server;
editing this copy changes nothing except your own understanding.
"""

import jax, jax.numpy as jnp
import numpy as np
import math

IN_DIM = 128
OUT_DIM = 128
ATTN_DIM = 64
N_REL = 5000
MAXLEN = 10000
N_NODE = 10000
N_EDGE = 320000
N_QUERY = 10000

def make_pe(hidden_dim, max_length):
    pos = np.arange(max_length, dtype=np.float64)[:, None]
    div = np.exp(np.arange(0, hidden_dim, 2, dtype=np.float64) * -(math.log(10000.0) / hidden_dim))
    pe = np.zeros((max_length, hidden_dim), dtype=np.float32)
    pe[:, 0::2] = np.sin(pos * div)
    pe[:, 1::2] = np.cos(pos * div)
    return jnp.asarray(pe)

def setup_inputs(seed: int = 0):
    key = jax.random.key(seed)
    ks = jax.random.split(key, 24)
    d = IN_DIM
    def lin(k, fi, fo):
        return (jax.random.normal(k, (fi, fo), dtype=jnp.float32) / np.sqrt(fi)).astype(jnp.float32)
    inp = {
        "q_sub": jax.random.randint(ks[0], (N_QUERY,), 0, N_NODE),
        "q_rel": jax.random.randint(ks[1], (N_QUERY,), 0, 2 * N_REL + 1),
        "hidden": jax.random.normal(ks[2], (N_NODE, d), dtype=jnp.float32),
        "edges": jax.random.randint(ks[3], (N_EDGE, 7), 0, 10000),
        "n_node": N_NODE,
        "time_stamp": MAXLEN - 1,
        "rel_table": jax.random.normal(ks[4], (2 * N_REL + 1, d), dtype=jnp.float32) * 0.02,
        "pe_rel": make_pe(d // 4, MAXLEN),
        "pe_abs": make_pe(d // 4, MAXLEN),
        "gate_W_w": lin(ks[5], 3 * d, 2 * d),
        "gate_W_b": jnp.zeros((2 * d,), dtype=jnp.float32),
        "gate_ht_w": lin(ks[6], 2 * d, d),
        "gate_ht_b": jnp.zeros((d,), dtype=jnp.float32),
        "fuse_w1": lin(ks[7], d // 2 * 3, d),
        "fuse_b1": jnp.zeros((d,), dtype=jnp.float32),
        "fuse_w2": lin(ks[8], d, d),
        "fuse_b2": jnp.zeros((d,), dtype=jnp.float32),
        "Ws_w": lin(ks[9], d, ATTN_DIM),
        "Wr_w": lin(ks[10], d, ATTN_DIM),
        "Wqr_w": lin(ks[11], d, ATTN_DIM),
        "Wqr_b": jnp.zeros((ATTN_DIM,), dtype=jnp.float32),
        "walpha_w": lin(ks[12], ATTN_DIM, 1),
        "Wh_w": lin(ks[13], d, OUT_DIM),
    }
    return inp

def reference(q_sub, q_rel, hidden, edges, n_node, time_stamp, rel_table, pe_rel, pe_abs, gate_W_w, gate_W_b, gate_ht_w, gate_ht_b, fuse_w1, fuse_b1, fuse_w2, fuse_b2, Ws_w, Wr_w, Wqr_w, Wqr_b, walpha_w, Wh_w):
    lrelu = lambda t: jax.nn.leaky_relu(t, negative_slope=0.01)
    sub = edges[:, 4]
    obj = edges[:, 5]
    r_idx = edges[:, 0]
    pairs = edges[:, jnp.array([2, 6])]
    output, reverse_indexes = jnp.unique(pairs, axis=0, return_inverse=True, size=pairs.shape[0], fill_value=0)
    reverse_indexes = reverse_indexes.ravel()
    temp_rel_emb = rel_table[output[:, 0]]
    temp_time_relative_emb = pe_rel[output[:, 1]]
    temp_time_absolute_emb = pe_abs[time_stamp - output[:, 1]]
    raw = jnp.concatenate([temp_rel_emb, temp_time_relative_emb, temp_time_absolute_emb], axis=1)
    fused = lrelu(lrelu(raw @ fuse_w1 + fuse_b1) @ fuse_w2 + fuse_b2)
    temp_comp = fused + temp_rel_emb
    hr = temp_comp[reverse_indexes]
    hs = hidden[sub]
    h_qr = rel_table[q_rel][r_idx]
    factors = jnp.concatenate([hr, h_qr, hs], axis=1)
    gates = jax.nn.sigmoid(factors @ gate_W_w + gate_W_b)
    update_value, reset_value = jnp.split(gates, 2, axis=1)
    hidden_candidate = jnp.tanh(jnp.concatenate([hr, reset_value * hs], axis=1) @ gate_ht_w + gate_ht_b)
    message = (1.0 - update_value) * hs + update_value * hidden_candidate
    alpha = lrelu(hs @ Ws_w + hr @ Wr_w + (h_qr @ Wqr_w + Wqr_b)) @ walpha_w
    up_message = jax.nn.sigmoid(alpha) * message
    message_agg = jax.ops.segment_sum(up_message, obj % n_node, num_segments=hidden.shape[0])
    hidden_new = message_agg @ Wh_w
    return hidden_new

if __name__ == "__main__":
    import jax
    _d = setup_inputs()
    print(jax.jit(kernel)(*tuple(_d.values())))

</pallas_src>

<mosaic_0001>
#map = affine_map<(d0, d1) -> (0, 0)>
#map1 = affine_map<(d0, d1) -> (0)>
#map2 = affine_map<(d0, d1) -> (0, 0, 0)>
module attributes {stable_mosaic.version = 14 : i64} {
  func.func @scat_k(%arg0: i32, %arg1: i32, %arg2: memref<320000x128xf32, #tpu.memory_space<hbm>>, %arg3: memref<320000xi32, #tpu.memory_space<hbm>>, %arg4: memref<10240x128xf32, #tpu.memory_space<hbm>>, %arg5: memref<2x10240x128xf32, #tpu.memory_space<hbm>>, %arg6: memref<10240x128xf32, #tpu.memory_space<vmem_shared>>, %arg7: memref<2x80xi32, #tpu.memory_space<vmem>>, %arg8: memref<2x80x128xf32, #tpu.memory_space<vmem>>, %arg9: memref<!tpu.dma_semaphore, #tpu.memory_space<semaphore_mem>>, %arg10: memref<!tpu.dma_semaphore, #tpu.memory_space<semaphore_mem>>) attributes {dimension_semantics = [#tpu.dimension_semantics<core_parallel>, #tpu.dimension_semantics<subcore_parallel>], iteration_bounds = array<i64: 2, 16>, scalar_prefetch = 0 : i64, scratch_operands = 5 : i64, tpu.core_type = #tpu.core_type<sc_vector_subcore>, window_params = [{transform_indices = #map}, {transform_indices = #map1}, {transform_indices = #map}, {transform_indices = #map2}]} {
    %mul3A = arith.constant 2 : i32
    %mul3A_0 = arith.muli %arg1, %mul3A : i32
    %add3A = arith.addi %mul3A_0, %arg0 : i32
    %mul3A_1 = arith.constant 10000 : i32
    %mul3A_2 = arith.muli %add3A, %mul3A_1 : i32
    %dma_start3A = arith.constant 0 : i32
    %dma_start3A_3 = arith.constant 0 : i32
    %dma_start3A_4 = tpu.memref_slice %arg7[%dma_start3A, %dma_start3A_3] : memref<2x80xi32, #tpu.memory_space<vmem>> -> memref<1x80xi32, #tpu.memory_space<vmem>>
    %dma_start3A_5 = tpu.memref_squeeze %dma_start3A_4 : memref<1x80xi32, #tpu.memory_space<vmem>> -> memref<80xi32, #tpu.memory_space<vmem>>
    %dma_start3A_6 = tpu.memref_slice %arg3[%mul3A_2] : memref<320000xi32, #tpu.memory_space<hbm>> -> memref<80xi32, #tpu.memory_space<hbm>>
    %dma_start3A_7 = arith.constant 0 : i32
    %dma_start3A_8 = tpu.memref_slice %arg7[%dma_start3A, %dma_start3A_7] : memref<2x80xi32, #tpu.memory_space<vmem>> -> memref<1x80xi32, #tpu.memory_space<vmem>>
    %dma_start3A_9 = tpu.memref_squeeze %dma_start3A_8 : memref<1x80xi32, #tpu.memory_space<vmem>> -> memref<80xi32, #tpu.memory_space<vmem>>
    %dma_start3A_10 = tpu.memref_slice %arg3[%mul3A_2] : memref<320000xi32, #tpu.memory_space<hbm>> -> memref<80xi32, #tpu.memory_space<hbm>>
    tpu.enqueue_dma source(%dma_start3A_10 : memref<80xi32, #tpu.memory_space<hbm>>) target(%dma_start3A_9 : memref<80xi32, #tpu.memory_space<vmem>>) target_semaphore(%arg9 : memref<!tpu.dma_semaphore, #tpu.memory_space<semaphore_mem>>)
    %dma_start3A_11 = arith.constant 0 : i32
    %dma_start3A_12 = arith.constant 0 : i32
    %dma_start3A_13 = arith.constant 0 : i32
    %dma_start3A_14 = tpu.memref_slice %arg8[%dma_start3A_11, %dma_start3A_12, %dma_start3A_13] : memref<2x80x128xf32, #tpu.memory_space<vmem>> -> memref<1x80x128xf32, #tpu.memory_space<vmem>>
    %dma_start3A_15 = tpu.memref_squeeze %dma_start3A_14 : memref<1x80x128xf32, #tpu.memory_space<vmem>> -> memref<80x128xf32, #tpu.memory_space<vmem>>
    %dma_start3A_16 = arith.constant 0 : i32
    %dma_start3A_17 = tpu.memref_slice %arg2[%mul3A_2, %dma_start3A_16] : memref<320000x128xf32, #tpu.memory_space<hbm>> -> memref<80x128xf32, #tpu.memory_space<hbm>>
    %dma_start3A_18 = arith.constant 0 : i32
    %dma_start3A_19 = arith.constant 0 : i32
    %dma_start3A_20 = tpu.memref_slice %arg8[%dma_start3A_11, %dma_start3A_18, %dma_start3A_19] : memref<2x80x128xf32, #tpu.memory_space<vmem>> -> memref<1x80x128xf32, #tpu.memory_space<vmem>>
    %dma_start3A_21 = tpu.memref_squeeze %dma_start3A_20 : memref<1x80x128xf32, #tpu.memory_space<vmem>> -> memref<80x128xf32, #tpu.memory_space<vmem>>
    %dma_start3A_22 = arith.constant 0 : i32
    %dma_start3A_23 = tpu.memref_slice %arg2[%mul3A_2, %dma_start3A_22] : memref<320000x128xf32, #tpu.memory_space<hbm>> -> memref<80x128xf32, #tpu.memory_space<hbm>>
    tpu.enqueue_dma source(%dma_start3A_23 : memref<80x128xf32, #tpu.memory_space<hbm>>) target(%dma_start3A_21 : memref<80x128xf32, #tpu.memory_space<vmem>>) target_semaphore(%arg10 : memref<!tpu.dma_semaphore, #tpu.memory_space<semaphore_mem>>)
    %mul3A_24 = arith.constant 640 : i32
    %mul3A_25 = arith.muli %arg1, %mul3A_24 : i32
    %mul3A_26 = arith.constant 640 : i32
    %mul3A_27 = arith.muli %arg1, %mul3A_26 : i32
    "tpu.region"() ({
      %run_scoped3A = tpu.sem_alloc : memref<!tpu.dma_semaphore, #tpu.memory_space<semaphore_mem>>
      %dma_start3A_38 = arith.constant 0 : i32
      %dma_start3A_39 = tpu.memref_slice %arg6[%mul3A_27, %dma_start3A_38] : memref<10240x128xf32, #tpu.memory_space<vmem_shared>> -> memref<640x128xf32, #tpu.memory_space<vmem_shared>>
      %dma_start3A_40 = arith.constant 0 : i32
      %dma_start3A_41 = tpu.memref_slice %arg4[%mul3A_25, %dma_start3A_40] : memref<10240x128xf32, #tpu.memory_space<hbm>> -> memref<640x128xf32, #tpu.memory_space<hbm>>
      tpu.enqueue_dma source(%dma_start3A_41 : memref<640x128xf32, #tpu.memory_space<hbm>>) target(%dma_start3A_39 : memref<640x128xf32, #tpu.memory_space<vmem_shared>>) target_semaphore(%run_scoped3A : memref<!tpu.dma_semaphore, #tpu.memory_space<semaphore_mem>>)
      %dma_wait3A = arith.constant 0 : i32
      %dma_wait3A_42 = tpu.memref_slice %arg6[%mul3A_27, %dma_wait3A] : memref<10240x128xf32, #tpu.memory_space<vmem_shared>> -> memref<640x128xf32, #tpu.memory_space<vmem_shared>>
      %dma_wait3A_43 = arith.constant 0 : i32
      %dma_wait3A_44 = tpu.memref_slice %arg4[%mul3A_25, %dma_wait3A_43] : memref<10240x128xf32, #tpu.memory_space<hbm>> -> memref<640x128xf32, #tpu.memory_space<hbm>>
      tpu.wait_dma2 semaphore(%run_scoped3A : memref<!tpu.dma_semaphore, #tpu.memory_space<semaphore_mem>>) src(%dma_wait3A_44 : memref<640x128xf32, #tpu.memory_space<hbm>>) dst(%dma_wait3A_42 : memref<640x128xf32, #tpu.memory_space<vmem_shared>>)
      tpu.yield
    }) : () -> ()
    %barrier3A = arith.constant 0 : index
    tpu.barrier barrier_id(%barrier3A)
    %scan3A = arith.constant 0 : i32
    %scan3A_28 = arith.constant 0 : i32
    %scan3A_29 = arith.constant 125 : i32
    %scan3A_30 = arith.addi %scan3A_28, %scan3A_29 : i32
    %scan3A_31 = arith.constant 1 : i32
    scf.for %scan3A_38 = %scan3A_28 to %scan3A_30 step %scan3A_31  : i32 {
      %rem3A = arith.constant 2 : i32
      %rem3A_39 = arith.remsi %scan3A_38, %rem3A : i32
      %sub3A = arith.constant 1 : i32
      %sub3A_40 = arith.subi %sub3A, %rem3A_39 : i32
      %mul3A_41 = arith.constant 80 : i32
      %mul3A_42 = arith.muli %scan3A_38, %mul3A_41 : i32
      %add3A_43 = arith.addi %mul3A_2, %mul3A_42 : i32
      %dma_wait3A = arith.constant 0 : i32
      %dma_wait3A_44 = tpu.memref_slice %arg7[%rem3A_39, %dma_wait3A] : memref<2x80xi32, #tpu.memory_space<vmem>> -> memref<1x80xi32, #tpu.memory_space<vmem>>
      %dma_wait3A_45 = tpu.memref_squeeze %dma_wait3A_44 : memref<1x80xi32, #tpu.memory_space<vmem>> -> memref<80xi32, #tpu.memory_space<vmem>>
      %dma_wait3A_46 = tpu.memref_slice %arg3[%add3A_43] : memref<320000xi32, #tpu.memory_space<hbm>> -> memref<80xi32, #tpu.memory_space<hbm>>
      %dma_wait3A_47 = arith.constant 0 : i32
      %dma_wait3A_48 = tpu.memref_slice %arg7[%rem3A_39, %dma_wait3A_47] : memref<2x80xi32, #tpu.memory_space<vmem>> -> memref<1x80xi32, #tpu.memory_space<vmem>>
      %dma_wait3A_49 = tpu.memref_squeeze %dma_wait3A_48 : memref<1x80xi32, #tpu.memory_space<vmem>> -> memref<80xi32, #tpu.memory_space<vmem>>
      %dma_wait3A_50 = tpu.memref_slice %arg3[%add3A_43] : memref<320000xi32, #tpu.memory_space<hbm>> -> memref<80xi32, #tpu.memory_space<hbm>>
      tpu.wait_dma2 semaphore(%arg9 : memref<!tpu.dma_semaphore, #tpu.memory_space<semaphore_mem>>) src(%dma_wait3A_50 : memref<80xi32, #tpu.memory_space<hbm>>) dst(%dma_wait3A_49 : memref<80xi32, #tpu.memory_space<vmem>>)
      %dma_wait3A_51 = arith.constant 0 : i32
      %dma_wait3A_52 = arith.constant 0 : i32
      %dma_wait3A_53 = tpu.memref_slice %arg8[%rem3A_39, %dma_wait3A_51, %dma_wait3A_52] : memref<2x80x128xf32, #tpu.memory_space<vmem>> -> memref<1x80x128xf32, #tpu.memory_space<vmem>>
      %dma_wait3A_54 = tpu.memref_squeeze %dma_wait3A_53 : memref<1x80x128xf32, #tpu.memory_space<vmem>> -> memref<80x128xf32, #tpu.memory_space<vmem>>
      %dma_wait3A_55 = arith.constant 0 : i32
      %dma_wait3A_56 = tpu.memref_slice %arg2[%add3A_43, %dma_wait3A_55] : memref<320000x128xf32, #tpu.memory_space<hbm>> -> memref<80x128xf32, #tpu.memory_space<hbm>>
      %dma_wait3A_57 = arith.constant 0 : i32
      %dma_wait3A_58 = arith.constant 0 : i32
      %dma_wait3A_59 = tpu.memref_slice %arg8[%rem3A_39, %dma_wait3A_57, %dma_wait3A_58] : memref<2x80x128xf32, #tpu.memory_space<vmem>> -> memref<1x80x128xf32, #tpu.memory_space<vmem>>
      %dma_wait3A_60 = tpu.memref_squeeze %dma_wait3A_59 : memref<1x80x128xf32, #tpu.memory_space<vmem>> -> memref<80x128xf32, #tpu.memory_space<vmem>>
      %dma_wait3A_61 = arith.constant 0 : i32
      %dma_wait3A_62 = tpu.memref_slice %arg2[%add3A_43, %dma_wait3A_61] : memref<320000x128xf32, #tpu.memory_space<hbm>> -> memref<80x128xf32, #tpu.memory_space<hbm>>
      tpu.wait_dma2 semaphore(%arg10 : memref<!tpu.dma_semaphore, #tpu.memory_space<semaphore_mem>>) src(%dma_wait3A_62 : memref<80x128xf32, #tpu.memory_space<hbm>>) dst(%dma_wait3A_60 : memref<80x128xf32, #tpu.memory_space<vmem>>)
      %add3A_63 = arith.constant 1 : i32
      %add3A_64 = arith.addi %scan3A_38, %add3A_63 : i32
      %lt3A = arith.constant 125 : i32
      %lt3A_65 = arith.cmpi slt, %add3A_64, %lt3A : i32
      %convert_element_type3A = arith.extui %lt3A_65 : i1 to i32
      %cond3A = arith.constant 0 : i32
      %cond3A_66 = arith.cmpi ne, %convert_element_type3A, %cond3A : i32
      scf.if %cond3A_66 {
        %add3A_67 = arith.constant 80 : i32
        %add3A_68 = arith.addi %add3A_43, %add3A_67 : i32
        %dma_start3A_69 = arith.constant 0 : i32
        %dma_start3A_70 = tpu.memref_slice %arg7[%sub3A_40, %dma_start3A_69] : memref<2x80xi32, #tpu.memory_space<vmem>> -> memref<1x80xi32, #tpu.memory_space<vmem>>
        %dma_start3A_71 = tpu.memref_squeeze %dma_start3A_70 : memref<1x80xi32, #tpu.memory_space<vmem>> -> memref<80xi32, #tpu.memory_space<vmem>>
        %dma_start3A_72 = tpu.memref_slice %arg3[%add3A_68] : memref<320000xi32, #tpu.memory_space<hbm>> -> memref<80xi32, #tpu.memory_space<hbm>>
        %dma_start3A_73 = arith.constant 0 : i32
        %dma_start3A_74 = tpu.memref_slice %arg7[%sub3A_40, %dma_start3A_73] : memref<2x80xi32, #tpu.memory_space<vmem>> -> memref<1x80xi32, #tpu.memory_space<vmem>>
        %dma_start3A_75 = tpu.memref_squeeze %dma_start3A_74 : memref<1x80xi32, #tpu.memory_space<vmem>> -> memref<80xi32, #tpu.memory_space<vmem>>
        %dma_start3A_76 = tpu.memref_slice %arg3[%add3A_68] : memref<320000xi32, #tpu.memory_space<hbm>> -> memref<80xi32, #tpu.memory_space<hbm>>
        tpu.enqueue_dma source(%dma_start3A_76 : memref<80xi32, #tpu.memory_space<hbm>>) target(%dma_start3A_75 : memref<80xi32, #tpu.memory_space<vmem>>) target_semaphore(%arg9 : memref<!tpu.dma_semaphore, #tpu.memory_space<semaphore_mem>>)
        %add3A_77 = arith.constant 80 : i32
        %add3A_78 = arith.addi %add3A_43, %add3A_77 : i32
        %dma_start3A_79 = arith.constant 0 : i32
        %dma_start3A_80 = arith.constant 0 : i32
        %dma_start3A_81 = tpu.memref_slice %arg8[%sub3A_40, %dma_start3A_79, %dma_start3A_80] : memref<2x80x128xf32, #tpu.memory_space<vmem>> -> memref<1x80x128xf32, #tpu.memory_space<vmem>>
        %dma_start3A_82 = tpu.memref_squeeze %dma_start3A_81 : memref<1x80x128xf32, #tpu.memory_space<vmem>> -> memref<80x128xf32, #tpu.memory_space<vmem>>
        %dma_start3A_83 = arith.constant 0 : i32
        %dma_start3A_84 = tpu.memref_slice %arg2[%add3A_78, %dma_start3A_83] : memref<320000x128xf32, #tpu.memory_space<hbm>> -> memref<80x128xf32, #tpu.memory_space<hbm>>
        %dma_start3A_85 = arith.constant 0 : i32
        %dma_start3A_86 = arith.constant 0 : i32
        %dma_start3A_87 = tpu.memref_slice %arg8[%sub3A_40, %dma_start3A_85, %dma_start3A_86] : memref<2x80x128xf32, #tpu.memory_space<vmem>> -> memref<1x80x128xf32, #tpu.memory_space<vmem>>
        %dma_start3A_88 = tpu.memref_squeeze %dma_start3A_87 : memref<1x80x128xf32, #tpu.memory_space<vmem>> -> memref<80x128xf32, #tpu.memory_space<vmem>>
        %dma_start3A_89 = arith.constant 0 : i32
        %dma_start3A_90 = tpu.memref_slice %arg2[%add3A_78, %dma_start3A_89] : memref<320000x128xf32, #tpu.memory_space<hbm>> -> memref<80x128xf32, #tpu.memory_space<hbm>>
        tpu.enqueue_dma source(%dma_start3A_90 : memref<80x128xf32, #tpu.memory_space<hbm>>) target(%dma_start3A_88 : memref<80x128xf32, #tpu.memory_space<vmem>>) target_semaphore(%arg10 : memref<!tpu.dma_semaphore, #tpu.memory_space<semaphore_mem>>)
      } else {
      }
      "tpu.region"() ({
        %run_scoped3A = tpu.sem_alloc : memref<!tpu.dma_semaphore, #tpu.memory_space<semaphore_mem>>
        %dma_start3A_67 = arith.constant 0 : i32
        %dma_start3A_68 = arith.constant 0 : i32
        %dma_start3A_69 = tpu.memref_slice %arg8[%rem3A_39, %dma_start3A_67, %dma_start3A_68] : memref<2x80x128xf32, #tpu.memory_space<vmem>> -> memref<1x80x128xf32, #tpu.memory_space<vmem>>
        %dma_start3A_70 = tpu.memref_squeeze %dma_start3A_69 : memref<1x80x128xf32, #tpu.memory_space<vmem>> -> memref<80x128xf32, #tpu.memory_space<vmem>>
        %dma_start3A_71 = arith.constant 0 : i32
        %dma_start3A_72 = tpu.memref_slice %arg7[%rem3A_39, %dma_start3A_71] : memref<2x80xi32, #tpu.memory_space<vmem>> -> memref<1x80xi32, #tpu.memory_space<vmem>>
        %dma_start3A_73 = tpu.memref_squeeze %dma_start3A_72 : memref<1x80xi32, #tpu.memory_space<vmem>> -> memref<80xi32, #tpu.memory_space<vmem>>
        %dma_start3A_74 = arith.constant 0 : i32
        %dma_start3A_75 = arith.constant 0 : i32
        %dma_start3A_76 = tpu.memref_slice %arg6[%dma_start3A_74, %dma_start3A_75] : memref<10240x128xf32, #tpu.memory_space<vmem_shared>> -> memref<10240x128xf32, #tpu.memory_space<vmem_shared>>
        tpu.enqueue_indirect_dma source(%dma_start3A_70 : memref<80x128xf32, #tpu.memory_space<vmem>>) target(%dma_start3A_76 : memref<10240x128xf32, #tpu.memory_space<vmem_shared>>) offsets(%dma_start3A_73 : memref<80xi32, #tpu.memory_space<vmem>>) semaphore(%run_scoped3A : memref<!tpu.dma_semaphore, #tpu.memory_space<semaphore_mem>>) {add = true}
        %dma_wait3A_77 = arith.constant 0 : i32
        %dma_wait3A_78 = arith.constant 0 : i32
        %dma_wait3A_79 = tpu.memref_slice %arg8[%rem3A_39, %dma_wait3A_77, %dma_wait3A_78] : memref<2x80x128xf32, #tpu.memory_space<vmem>> -> memref<1x80x128xf32, #tpu.memory_space<vmem>>
        %dma_wait3A_80 = tpu.memref_squeeze %dma_wait3A_79 : memref<1x80x128xf32, #tpu.memory_space<vmem>> -> memref<80x128xf32, #tpu.memory_space<vmem>>
        %dma_wait3A_81 = arith.constant 0 : i32
        %dma_wait3A_82 = tpu.memref_slice %arg7[%rem3A_39, %dma_wait3A_81] : memref<2x80xi32, #tpu.memory_space<vmem>> -> memref<1x80xi32, #tpu.memory_space<vmem>>
        %dma_wait3A_83 = tpu.memref_squeeze %dma_wait3A_82 : memref<1x80xi32, #tpu.memory_space<vmem>> -> memref<80xi32, #tpu.memory_space<vmem>>
        %dma_wait3A_84 = arith.constant 0 : i32
        %dma_wait3A_85 = arith.constant 0 : i32
        %dma_wait3A_86 = tpu.memref_slice %arg6[%dma_wait3A_84, %dma_wait3A_85] : memref<10240x128xf32, #tpu.memory_space<vmem_shared>> -> memref<10240x128xf32, #tpu.memory_space<vmem_shared>>
        tpu.wait_indirect_dma semaphore(%run_scoped3A : memref<!tpu.dma_semaphore, #tpu.memory_space<semaphore_mem>>) src(%dma_wait3A_80 : memref<80x128xf32, #tpu.memory_space<vmem>>) dst(%dma_wait3A_86 : memref<10240x128xf32, #tpu.memory_space<vmem_shared>>)
        tpu.yield
      }) : () -> ()
    }
    %scan3A_32 = arith.constant 125 : i32
    %barrier3A_33 = arith.constant 0 : index
    tpu.barrier barrier_id(%barrier3A_33)
    %mul3A_34 = arith.constant 640 : i32
    %mul3A_35 = arith.muli %arg1, %mul3A_34 : i32
    %mul3A_36 = arith.constant 640 : i32
    %mul3A_37 = arith.muli %arg1, %mul3A_36 : i32
    "tpu.region"() ({
      %run_scoped3A = tpu.sem_alloc : memref<!tpu.dma_semaphore, #tpu.memory_space<semaphore_mem>>
      %dma_start3A_38 = arith.constant 0 : i32
      %dma_start3A_39 = tpu.memref_slice %arg5[%arg0, %mul3A_37, %dma_start3A_38] : memref<2x10240x128xf32, #tpu.memory_space<hbm>> -> memref<1x640x128xf32, #tpu.memory_space<hbm>>
      %dma_start3A_40 = tpu.memref_squeeze %dma_start3A_39 : memref<1x640x128xf32, #tpu.memory_space<hbm>> -> memref<640x128xf32, #tpu.memory_space<hbm>>
      %dma_start3A_41 = arith.constant 0 : i32
      %dma_start3A_42 = tpu.memref_slice %arg6[%mul3A_35, %dma_start3A_41] : memref<10240x128xf32, #tpu.memory_space<vmem_shared>> -> memref<640x128xf32, #tpu.memory_space<vmem_shared>>
      tpu.enqueue_dma source(%dma_start3A_42 : memref<640x128xf32, #tpu.memory_space<vmem_shared>>) target(%dma_start3A_40 : memref<640x128xf32, #tpu.memory_space<hbm>>) target_semaphore(%run_scoped3A : memref<!tpu.dma_semaphore, #tpu.memory_space<semaphore_mem>>)
      %dma_wait3A = arith.constant 0 : i32
      %dma_wait3A_43 = tpu.memref_slice %arg5[%arg0, %mul3A_37, %dma_wait3A] : memref<2x10240x128xf32, #tpu.memory_space<hbm>> -> memref<1x640x128xf32, #tpu.memory_space<hbm>>
      %dma_wait3A_44 = tpu.memref_squeeze %dma_wait3A_43 : memref<1x640x128xf32, #tpu.memory_space<hbm>> -> memref<640x128xf32, #tpu.memory_space<hbm>>
      %dma_wait3A_45 = arith.constant 0 : i32
      %dma_wait3A_46 = tpu.memref_slice %arg6[%mul3A_35, %dma_wait3A_45] : memref<10240x128xf32, #tpu.memory_space<vmem_shared>> -> memref<640x128xf32, #tpu.memory_space<vmem_shared>>
      tpu.wait_dma2 semaphore(%run_scoped3A : memref<!tpu.dma_semaphore, #tpu.memory_space<semaphore_mem>>) src(%dma_wait3A_46 : memref<640x128xf32, #tpu.memory_space<vmem_shared>>) dst(%dma_wait3A_44 : memref<640x128xf32, #tpu.memory_space<hbm>>)
      tpu.yield
    }) : () -> ()
    return
  }
}

#map = affine_map<(d0, d1) -> (0, 0)>
#map1 = affine_map<(d0, d1) -> (0)>
module attributes {stable_mosaic.version = 14 : i64} {
  func.func @gather_k(%arg0: i32, %arg1: i32, %arg2: memref<10001x128xf32, #tpu.memory_space<hbm>>, %arg3: memref<10000x128xf32, #tpu.memory_space<hbm>>, %arg4: memref<10000x128xf32, #tpu.memory_space<hbm>>, %arg5: memref<10000xi32, #tpu.memory_space<hbm>>, %arg6: memref<320000xi32, #tpu.memory_space<hbm>>, %arg7: memref<320000xi32, #tpu.memory_space<hbm>>, %arg8: memref<320000xi32, #tpu.memory_space<hbm>>, %arg9: memref<320000xi32, #tpu.memory_space<hbm>>, %arg10: memref<320000x128xf32, #tpu.memory_space<hbm>>, %arg11: memref<320000x128xf32, #tpu.memory_space<hbm>>, %arg12: memref<320000x128xf32, #tpu.memory_space<hbm>>, %arg13: memref<320000x128xf32, #tpu.memory_space<hbm>>, %arg14: memref<10000xi32, #tpu.memory_space<vmem>>, %arg15: memref<2x80xi32, #tpu.memory_space<vmem>>, %arg16: memref<2x80xi32, #tpu.memory_space<vmem>>, %arg17: memref<2x80xi32, #tpu.memory_space<vmem>>, %arg18: memref<2x80xi32, #tpu.memory_space<vmem>>, %arg19: memref<2x80xi32, #tpu.memory_space<vmem>>, %arg20: memref<2x80x128xf32, #tpu.memory_space<vmem>>, %arg21: memref<2x80x128xf32, #tpu.memory_space<vmem>>, %arg22: memref<2x80x128xf32, #tpu.memory_space<vmem>>, %arg23: memref<2x80x128xf32, #tpu.memory_space<vmem>>, %arg24: memref<!tpu.dma_semaphore, #tpu.memory_space<semaphore_mem>>, %arg25: memref<!tpu.dma_semaphore, #tpu.memory_space<semaphore_mem>>, %arg26: memref<!tpu.dma_semaphore, #tpu.memory_space<semaphore_mem>>) attributes {dimension_semantics = [#tpu.dimension_semantics<core_parallel>, #tpu.dimension_semantics<subcore_parallel>], iteration_bounds = array<i64: 2, 16>, scalar_prefetch = 0 : i64, scratch_operands = 13 : i64, tpu.core_type = #tpu.core_type<sc_vector_subcore>, window_params = [{transform_indices = #map}, {transform_indices = #map}, {transform_indices = #map}, {transform_indices = #map1}, {transform_indices = #map1}, {transform_indices = #map1}, {transform_indices = #map1}, {transform_indices = #map1}, {transform_indices = #map}, {transform_indices = #map}, {transform_indices = #map}, {transform_indices = #map}]} {
    %mul3A = arith.constant 2 : i32
    %mul3A_0 = arith.muli %arg1, %mul3A : i32
    %add3A = arith.addi %mul3A_0, %arg0 : i32
    %mul3A_1 = arith.constant 10000 : i32
    %mul3A_2 = arith.muli %add3A, %mul3A_1 : i32
    "tpu.region"() ({
      %run_scoped3A = tpu.sem_alloc : memref<!tpu.dma_semaphore, #tpu.memory_space<semaphore_mem>>
      tpu.enqueue_dma source(%arg5 : memref<10000xi32, #tpu.memory_space<hbm>>) target(%arg14 : memref<10000xi32, #tpu.memory_space<vmem>>) target_semaphore(%run_scoped3A : memref<!tpu.dma_semaphore, #tpu.memory_space<semaphore_mem>>)
      tpu.wait_dma2 semaphore(%run_scoped3A : memref<!tpu.dma_semaphore, #tpu.memory_space<semaphore_mem>>) src(%arg5 : memref<10000xi32, #tpu.memory_space<hbm>>) dst(%arg14 : memref<10000xi32, #tpu.memory_space<vmem>>)
      tpu.yield
    }) : () -> ()
    %add3A_3 = arith.constant 0 : i32
    %add3A_4 = arith.addi %mul3A_2, %add3A_3 : i32
    %dma_start3A = arith.constant 0 : i32
    %dma_start3A_5 = arith.constant 0 : i32
    %dma_start3A_6 = tpu.memref_slice %arg15[%dma_start3A, %dma_start3A_5] : memref<2x80xi32, #tpu.memory_space<vmem>> -> memref<1x80xi32, #tpu.memory_space<vmem>>
    %dma_start3A_7 = tpu.memref_squeeze %dma_start3A_6 : memref<1x80xi32, #tpu.memory_space<vmem>> -> memref<80xi32, #tpu.memory_space<vmem>>
    %dma_start3A_8 = tpu.memref_slice %arg6[%add3A_4] : memref<320000xi32, #tpu.memory_space<hbm>> -> memref<80xi32, #tpu.memory_space<hbm>>
    %dma_start3A_9 = arith.constant 0 : i32
    %dma_start3A_10 = tpu.memref_slice %arg15[%dma_start3A, %dma_start3A_9] : memref<2x80xi32, #tpu.memory_space<vmem>> -> memref<1x80xi32, #tpu.memory_space<vmem>>
    %dma_start3A_11 = tpu.memref_squeeze %dma_start3A_10 : memref<1x80xi32, #tpu.memory_space<vmem>> -> memref<80xi32, #tpu.memory_space<vmem>>
    %dma_start3A_12 = tpu.memref_slice %arg6[%add3A_4] : memref<320000xi32, #tpu.memory_space<hbm>> -> memref<80xi32, #tpu.memory_space<hbm>>
    tpu.enqueue_dma source(%dma_start3A_12 : memref<80xi32, #tpu.memory_space<hbm>>) target(%dma_start3A_11 : memref<80xi32, #tpu.memory_space<vmem>>) target_semaphore(%arg24 : memref<!tpu.dma_semaphore, #tpu.memory_space<semaphore_mem>>)
    %dma_start3A_13 = arith.constant 0 : i32
    %dma_start3A_14 = arith.constant 0 : i32
    %dma_start3A_15 = tpu.memref_slice %arg16[%dma_start3A_13, %dma_start3A_14] : memref<2x80xi32, #tpu.memory_space<vmem>> -> memref<1x80xi32, #tpu.memory_space<vmem>>
    %dma_start3A_16 = tpu.memref_squeeze %dma_start3A_15 : memref<1x80xi32, #tpu.memory_space<vmem>> -> memref<80xi32, #tpu.memory_space<vmem>>
    %dma_start3A_17 = tpu.memref_slice %arg7[%add3A_4] : memref<320000xi32, #tpu.memory_space<hbm>> -> memref<80xi32, #tpu.memory_space<hbm>>
    %dma_start3A_18 = arith.constant 0 : i32
    %dma_start3A_19 = tpu.memref_slice %arg16[%dma_start3A_13, %dma_start3A_18] : memref<2x80xi32, #tpu.memory_space<vmem>> -> memref<1x80xi32, #tpu.memory_space<vmem>>
    %dma_start3A_20 = tpu.memref_squeeze %dma_start3A_19 : memref<1x80xi32, #tpu.memory_space<vmem>> -> memref<80xi32, #tpu.memory_space<vmem>>
    %dma_start3A_21 = tpu.memref_slice %arg7[%add3A_4] : memref<320000xi32, #tpu.memory_space<hbm>> -> memref<80xi32, #tpu.memory_space<hbm>>
    tpu.enqueue_dma source(%dma_start3A_21 : memref<80xi32, #tpu.memory_space<hbm>>) target(%dma_start3A_20 : memref<80xi32, #tpu.memory_space<vmem>>) target_semaphore(%arg24 : memref<!tpu.dma_semaphore, #tpu.memory_space<semaphore_mem>>)
    %dma_start3A_22 = arith.constant 0 : i32
    %dma_start3A_23 = arith.constant 0 : i32
    %dma_start3A_24 = tpu.memref_slice %arg17[%dma_start3A_22, %dma_start3A_23] : memref<2x80xi32, #tpu.memory_space<vmem>> -> memref<1x80xi32, #tpu.memory_space<vmem>>
    %dma_start3A_25 = tpu.memref_squeeze %dma_start3A_24 : memref<1x80xi32, #tpu.memory_space<vmem>> -> memref<80xi32, #tpu.memory_space<vmem>>
    %dma_start3A_26 = tpu.memref_slice %arg8[%add3A_4] : memref<320000xi32, #tpu.memory_space<hbm>> -> memref<80xi32, #tpu.memory_space<hbm>>
    %dma_start3A_27 = arith.constant 0 : i32
    %dma_start3A_28 = tpu.memref_slice %arg17[%dma_start3A_22, %dma_start3A_27] : memref<2x80xi32, #tpu.memory_space<vmem>> -> memref<1x80xi32, #tpu.memory_space<vmem>>
    %dma_start3A_29 = tpu.memref_squeeze %dma_start3A_28 : memref<1x80xi32, #tpu.memory_space<vmem>> -> memref<80xi32, #tpu.memory_space<vmem>>
    %dma_start3A_30 = tpu.memref_slice %arg8[%add3A_4] : memref<320000xi32, #tpu.memory_space<hbm>> -> memref<80xi32, #tpu.memory_space<hbm>>
    tpu.enqueue_dma source(%dma_start3A_30 : memref<80xi32, #tpu.memory_space<hbm>>) target(%dma_start3A_29 : memref<80xi32, #tpu.memory_space<vmem>>) target_semaphore(%arg24 : memref<!tpu.dma_semaphore, #tpu.memory_space<semaphore_mem>>)
    %dma_start3A_31 = arith.constant 0 : i32
    %dma_start3A_32 = arith.constant 0 : i32
    %dma_start3A_33 = tpu.memref_slice %arg18[%dma_start3A_31, %dma_start3A_32] : memref<2x80xi32, #tpu.memory_space<vmem>> -> memref<1x80xi32, #tpu.memory_space<vmem>>
    %dma_start3A_34 = tpu.memref_squeeze %dma_start3A_33 : memref<1x80xi32, #tpu.memory_space<vmem>> -> memref<80xi32, #tpu.memory_space<vmem>>
    %dma_start3A_35 = tpu.memref_slice %arg9[%add3A_4] : memref<320000xi32, #tpu.memory_space<hbm>> -> memref<80xi32, #tpu.memory_space<hbm>>
    %dma_start3A_36 = arith.constant 0 : i32
    %dma_start3A_37 = tpu.memref_slice %arg18[%dma_start3A_31, %dma_start3A_36] : memref<2x80xi32, #tpu.memory_space<vmem>> -> memref<1x80xi32, #tpu.memory_space<vmem>>
    %dma_start3A_38 = tpu.memref_squeeze %dma_start3A_37 : memref<1x80xi32, #tpu.memory_space<vmem>> -> memref<80xi32, #tpu.memory_space<vmem>>
    %dma_start3A_39 = tpu.memref_slice %arg9[%add3A_4] : memref<320000xi32, #tpu.memory_space<hbm>> -> memref<80xi32, #tpu.memory_space<hbm>>
    tpu.enqueue_dma source(%dma_start3A_39 : memref<80xi32, #tpu.memory_space<hbm>>) target(%dma_start3A_38 : memref<80xi32, #tpu.memory_space<vmem>>) target_semaphore(%arg24 : memref<!tpu.dma_semaphore, #tpu.memory_space<semaphore_mem>>)
    %scan3A = arith.constant 0 : i32
    %scan3A_40 = arith.constant 0 : i32
    %scan3A_41 = arith.constant 125 : i32
    %scan3A_42 = arith.addi %scan3A_40, %scan3A_41 : i32
    %scan3A_43 = arith.constant 1 : i32
    scf.for %scan3A_278 = %scan3A_40 to %scan3A_42 step %scan3A_43  : i32 {
      %rem3A = arith.constant 2 : i32
      %rem3A_279 = arith.remsi %scan3A_278, %rem3A : i32
      %sub3A = arith.constant 1 : i32
      %sub3A_280 = arith.subi %sub3A, %rem3A_279 : i32
      %mul3A_281 = arith.constant 80 : i32
      %mul3A_282 = arith.muli %scan3A_278, %mul3A_281 : i32
      %add3A_283 = arith.addi %mul3A_2, %mul3A_282 : i32
      %dma_wait3A_284 = arith.constant 0 : i32
      %dma_wait3A_285 = tpu.memref_slice %arg15[%rem3A_279, %dma_wait3A_284] : memref<2x80xi32, #tpu.memory_space<vmem>> -> memref<1x80xi32, #tpu.memory_space<vmem>>
      %dma_wait3A_286 = tpu.memref_squeeze %dma_wait3A_285 : memref<1x80xi32, #tpu.memory_space<vmem>> -> memref<80xi32, #tpu.memory_space<vmem>>
      %dma_wait3A_287 = arith.constant 0 : i32
      %dma_wait3A_288 = tpu.memref_slice %arg6[%dma_wait3A_287] : memref<320000xi32, #tpu.memory_space<hbm>> -> memref<80xi32, #tpu.memory_space<hbm>>
      %dma_wait3A_289 = arith.constant 0 : i32
      %dma_wait3A_290 = tpu.memref_slice %arg15[%rem3A_279, %dma_wait3A_289] : memref<2x80xi32, #tpu.memory_space<vmem>> -> memref<1x80xi32, #tpu.memory_space<vmem>>
      %dma_wait3A_291 = tpu.memref_squeeze %dma_wait3A_290 : memref<1x80xi32, #tpu.memory_space<vmem>> -> memref<80xi32, #tpu.memory_space<vmem>>
      %dma_wait3A_292 = arith.constant 0 : i32
      %dma_wait3A_293 = tpu.memref_slice %arg6[%dma_wait3A_292] : memref<320000xi32, #tpu.memory_space<hbm>> -> memref<80xi32, #tpu.memory_space<hbm>>
      tpu.wait_dma2 semaphore(%arg24 : memref<!tpu.dma_semaphore, #tpu.memory_space<semaphore_mem>>) src(%dma_wait3A_293 : memref<80xi32, #tpu.memory_space<hbm>>) dst(%dma_wait3A_291 : memref<80xi32, #tpu.memory_space<vmem>>)
      %dma_wait3A_294 = arith.constant 0 : i32
      %dma_wait3A_295 = tpu.memref_slice %arg16[%rem3A_279, %dma_wait3A_294] : memref<2x80xi32, #tpu.memory_space<vmem>> -> memref<1x80xi32, #tpu.memory_space<vmem>>
      %dma_wait3A_296 = tpu.memref_squeeze %dma_wait3A_295 : memref<1x80xi32, #tpu.memory_space<vmem>> -> memref<80xi32, #tpu.memory_space<vmem>>
      %dma_wait3A_297 = arith.constant 0 : i32
      %dma_wait3A_298 = tpu.memref_slice %arg7[%dma_wait3A_297] : memref<320000xi32, #tpu.memory_space<hbm>> -> memref<80xi32, #tpu.memory_space<hbm>>
      %dma_wait3A_299 = arith.constant 0 : i32
      %dma_wait3A_300 = tpu.memref_slice %arg16[%rem3A_279, %dma_wait3A_299] : memref<2x80xi32, #tpu.memory_space<vmem>> -> memref<1x80xi32, #tpu.memory_space<vmem>>
      %dma_wait3A_301 = tpu.memref_squeeze %dma_wait3A_300 : memref<1x80xi32, #tpu.memory_space<vmem>> -> memref<80xi32, #tpu.memory_space<vmem>>
      %dma_wait3A_302 = arith.constant 0 : i32
      %dma_wait3A_303 = tpu.memref_slice %arg7[%dma_wait3A_302] : memref<320000xi32, #tpu.memory_space<hbm>> -> memref<80xi32, #tpu.memory_space<hbm>>
      tpu.wait_dma2 semaphore(%arg24 : memref<!tpu.dma_semaphore, #tpu.memory_space<semaphore_mem>>) src(%dma_wait3A_303 : memref<80xi32, #tpu.memory_space<hbm>>) dst(%dma_wait3A_301 : memref<80xi32, #tpu.memory_space<vmem>>)
      %dma_wait3A_304 = arith.constant 0 : i32
      %dma_wait3A_305 = tpu.memref_slice %arg17[%rem3A_279, %dma_wait3A_304] : memref<2x80xi32, #tpu.memory_space<vmem>> -> memref<1x80xi32, #tpu.memory_space<vmem>>
      %dma_wait3A_306 = tpu.memref_squeeze %dma_wait3A_305 : memref<1x80xi32, #tpu.memory_space<vmem>> -> memref<80xi32, #tpu.memory_space<vmem>>
      %dma_wait3A_307 = arith.constant 0 : i32
      %dma_wait3A_308 = tpu.memref_slice %arg8[%dma_wait3A_307] : memref<320000xi32, #tpu.memory_space<hbm>> -> memref<80xi32, #tpu.memory_space<hbm>>
      %dma_wait3A_309 = arith.constant 0 : i32
      %dma_wait3A_310 = tpu.memref_slice %arg17[%rem3A_279, %dma_wait3A_309] : memref<2x80xi32, #tpu.memory_space<vmem>> -> memref<1x80xi32, #tpu.memory_space<vmem>>
      %dma_wait3A_311 = tpu.memref_squeeze %dma_wait3A_310 : memref<1x80xi32, #tpu.memory_space<vmem>> -> memref<80xi32, #tpu.memory_space<vmem>>
      %dma_wait3A_312 = arith.constant 0 : i32
      %dma_wait3A_313 = tpu.memref_slice %arg8[%dma_wait3A_312] : memref<320000xi32, #tpu.memory_space<hbm>> -> memref<80xi32, #tpu.memory_space<hbm>>
      tpu.wait_dma2 semaphore(%arg24 : memref<!tpu.dma_semaphore, #tpu.memory_space<semaphore_mem>>) src(%dma_wait3A_313 : memref<80xi32, #tpu.memory_space<hbm>>) dst(%dma_wait3A_311 : memref<80xi32, #tpu.memory_space<vmem>>)
      %dma_wait3A_314 = arith.constant 0 : i32
      %dma_wait3A_315 = tpu.memref_slice %arg18[%rem3A_279, %dma_wait3A_314] : memref<2x80xi32, #tpu.memory_space<vmem>> -> memref<1x80xi32, #tpu.memory_space<vmem>>
      %dma_wait3A_316 = tpu.memref_squeeze %dma_wait3A_315 : memref<1x80xi32, #tpu.memory_space<vmem>> -> memref<80xi32, #tpu.memory_space<vmem>>
      %dma_wait3A_317 = arith.constant 0 : i32
      %dma_wait3A_318 = tpu.memref_slice %arg9[%dma_wait3A_317] : memref<320000xi32, #tpu.memory_space<hbm>> -> memref<80xi32, #tpu.memory_space<hbm>>
      %dma_wait3A_319 = arith.constant 0 : i32
      %dma_wait3A_320 = tpu.memref_slice %arg18[%rem3A_279, %dma_wait3A_319] : memref<2x80xi32, #tpu.memory_space<vmem>> -> memref<1x80xi32, #tpu.memory_space<vmem>>
      %dma_wait3A_321 = tpu.memref_squeeze %dma_wait3A_320 : memref<1x80xi32, #tpu.memory_space<vmem>> -> memref<80xi32, #tpu.memory_space<vmem>>
      %dma_wait3A_322 = arith.constant 0 : i32
      %dma_wait3A_323 = tpu.memref_slice %arg9[%dma_wait3A_322] : memref<320000xi32, #tpu.memory_space<hbm>> -> memref<80xi32, #tpu.memory_space<hbm>>
      tpu.wait_dma2 semaphore(%arg24 : memref<!tpu.dma_semaphore, #tpu.memory_space<semaphore_mem>>) src(%dma_wait3A_323 : memref<80xi32, #tpu.memory_space<hbm>>) dst(%dma_wait3A_321 : memref<80xi32, #tpu.memory_space<vmem>>)
      %ge3A = arith.constant 1 : i32
      %ge3A_324 = arith.cmpi sge, %scan3A_278, %ge3A : i32
      %convert_element_type3A = arith.extui %ge3A_324 : i1 to i32
      %cond3A = arith.constant 0 : i32
      %cond3A_325 = arith.cmpi ne, %convert_element_type3A, %cond3A : i32
      scf.if %cond3A_325 {
        %dma_wait3A_424 = arith.constant 0 : i32
        %dma_wait3A_425 = arith.constant 0 : i32
        %dma_wait3A_426 = tpu.memref_slice %arg20[%sub3A_280, %dma_wait3A_424, %dma_wait3A_425] : memref<2x80x128xf32, #tpu.memory_space<vmem>> -> memref<1x80x128xf32, #tpu.memory_space<vmem>>
        %dma_wait3A_427 = tpu.memref_squeeze %dma_wait3A_426 : memref<1x80x128xf32, #tpu.memory_space<vmem>> -> memref<80x128xf32, #tpu.memory_space<vmem>>
        %dma_wait3A_428 = arith.constant 0 : i32
        %dma_wait3A_429 = arith.constant 0 : i32
        %dma_wait3A_430 = tpu.memref_slice %arg11[%dma_wait3A_428, %dma_wait3A_429] : memref<320000x128xf32, #tpu.memory_space<hbm>> -> memref<80x128xf32, #tpu.memory_space<hbm>>
        %dma_wait3A_431 = arith.constant 0 : i32
        %dma_wait3A_432 = arith.constant 0 : i32
        %dma_wait3A_433 = tpu.memref_slice %arg20[%sub3A_280, %dma_wait3A_431, %dma_wait3A_432] : memref<2x80x128xf32, #tpu.memory_space<vmem>> -> memref<1x80x128xf32, #tpu.memory_space<vmem>>
        %dma_wait3A_434 = tpu.memref_squeeze %dma_wait3A_433 : memref<1x80x128xf32, #tpu.memory_space<vmem>> -> memref<80x128xf32, #tpu.memory_space<vmem>>
        %dma_wait3A_435 = arith.constant 0 : i32
        %dma_wait3A_436 = arith.constant 0 : i32
        %dma_wait3A_437 = tpu.memref_slice %arg11[%dma_wait3A_435, %dma_wait3A_436] : memref<320000x128xf32, #tpu.memory_space<hbm>> -> memref<80x128xf32, #tpu.memory_space<hbm>>
        tpu.wait_dma2 semaphore(%arg25 : memref<!tpu.dma_semaphore, #tpu.memory_space<semaphore_mem>>) src(%dma_wait3A_437 : memref<80x128xf32, #tpu.memory_space<hbm>>) dst(%dma_wait3A_434 : memref<80x128xf32, #tpu.memory_space<vmem>>)
        %dma_wait3A_438 = arith.constant 0 : i32
        %dma_wait3A_439 = arith.constant 0 : i32
        %dma_wait3A_440 = tpu.memref_slice %arg21[%sub3A_280, %dma_wait3A_438, %dma_wait3A_439] : memref<2x80x128xf32, #tpu.memory_space<vmem>> -> memref<1x80x128xf32, #tpu.memory_space<vmem>>
        %dma_wait3A_441 = tpu.memref_squeeze %dma_wait3A_440 : memref<1x80x128xf32, #tpu.memory_space<vmem>> -> memref<80x128xf32, #tpu.memory_space<vmem>>
        %dma_wait3A_442 = arith.constant 0 : i32
        %dma_wait3A_443 = arith.constant 0 : i32
        %dma_wait3A_444 = tpu.memref_slice %arg11[%dma_wait3A_442, %dma_wait3A_443] : memref<320000x128xf32, #tpu.memory_space<hbm>> -> memref<80x128xf32, #tpu.memory_space<hbm>>
        %dma_wait3A_445 = arith.constant 0 : i32
        %dma_wait3A_446 = arith.constant 0 : i32
        %dma_wait3A_447 = tpu.memref_slice %arg21[%sub3A_280, %dma_wait3A_445, %dma_wait3A_446] : memref<2x80x128xf32, #tpu.memory_space<vmem>> -> memref<1x80x128xf32, #tpu.memory_space<vmem>>
        %dma_wait3A_448 = tpu.memref_squeeze %dma_wait3A_447 : memref<1x80x128xf32, #tpu.memory_space<vmem>> -> memref<80x128xf32, #tpu.memory_space<vmem>>
        %dma_wait3A_449 = arith.constant 0 : i32
        %dma_wait3A_450 = arith.constant 0 : i32
        %dma_wait3A_451 = tpu.memref_slice %arg11[%dma_wait3A_449, %dma_wait3A_450] : memref<320000x128xf32, #tpu.memory_space<hbm>> -> memref<80x128xf32, #tpu.memory_space<hbm>>
        tpu.wait_dma2 semaphore(%arg25 : memref<!tpu.dma_semaphore, #tpu.memory_space<semaphore_mem>>) src(%dma_wait3A_451 : memref<80x128xf32, #tpu.memory_space<hbm>>) dst(%dma_wait3A_448 : memref<80x128xf32, #tpu.memory_space<vmem>>)
        %dma_wait3A_452 = arith.constant 0 : i32
        %dma_wait3A_453 = arith.constant 0 : i32
        %dma_wait3A_454 = tpu.memref_slice %arg22[%sub3A_280, %dma_wait3A_452, %dma_wait3A_453] : memref<2x80x128xf32, #tpu.memory_space<vmem>> -> memref<1x80x128xf32, #tpu.memory_space<vmem>>
        %dma_wait3A_455 = tpu.memref_squeeze %dma_wait3A_454 : memref<1x80x128xf32, #tpu.memory_space<vmem>> -> memref<80x128xf32, #tpu.memory_space<vmem>>
        %dma_wait3A_456 = arith.constant 0 : i32
        %dma_wait3A_457 = arith.constant 0 : i32
        %dma_wait3A_458 = tpu.memref_slice %arg11[%dma_wait3A_456, %dma_wait3A_457] : memref<320000x128xf32, #tpu.memory_space<hbm>> -> memref<80x128xf32, #tpu.memory_space<hbm>>
        %dma_wait3A_459 = arith.constant 0 : i32
        %dma_wait3A_460 = arith.constant 0 : i32
        %dma_wait3A_461 = tpu.memref_slice %arg22[%sub3A_280, %dma_wait3A_459, %dma_wait3A_460] : memref<2x80x128xf32, #tpu.memory_space<vmem>> -> memref<1x80x128xf32, #tpu.memory_space<vmem>>
        %dma_wait3A_462 = tpu.memref_squeeze %dma_wait3A_461 : memref<1x80x128xf32, #tpu.memory_space<vmem>> -> memref<80x128xf32, #tpu.memory_space<vmem>>
        %dma_wait3A_463 = arith.constant 0 : i32
        %dma_wait3A_464 = arith.constant 0 : i32
        %dma_wait3A_465 = tpu.memref_slice %arg11[%dma_wait3A_463, %dma_wait3A_464] : memref<320000x128xf32, #tpu.memory_space<hbm>> -> memref<80x128xf32, #tpu.memory_space<hbm>>
        tpu.wait_dma2 semaphore(%arg25 : memref<!tpu.dma_semaphore, #tpu.memory_space<semaphore_mem>>) src(%dma_wait3A_465 : memref<80x128xf32, #tpu.memory_space<hbm>>) dst(%dma_wait3A_462 : memref<80x128xf32, #tpu.memory_space<vmem>>)
        %dma_wait3A_466 = arith.constant 0 : i32
        %dma_wait3A_467 = arith.constant 0 : i32
        %dma_wait3A_468 = tpu.memref_slice %arg23[%sub3A_280, %dma_wait3A_466, %dma_wait3A_467] : memref<2x80x128xf32, #tpu.memory_space<vmem>> -> memref<1x80x128xf32, #tpu.memory_space<vmem>>
        %dma_wait3A_469 = tpu.memref_squeeze %dma_wait3A_468 : memref<1x80x128xf32, #tpu.memory_space<vmem>> -> memref<80x128xf32, #tpu.memory_space<vmem>>
        %dma_wait3A_470 = arith.constant 0 : i32
        %dma_wait3A_471 = arith.constant 0 : i32
        %dma_wait3A_472 = tpu.memref_slice %arg11[%dma_wait3A_470, %dma_wait3A_471] : memref<320000x128xf32, #tpu.memory_space<hbm>> -> memref<80x128xf32, #tpu.memory_space<hbm>>
        %dma_wait3A_473 = arith.constant 0 : i32
        %dma_wait3A_474 = arith.constant 0 : i32
        %dma_wait3A_475 = tpu.memref_slice %arg23[%sub3A_280, %dma_wait3A_473, %dma_wait3A_474] : memref<2x80x128xf32, #tpu.memory_space<vmem>> -> memref<1x80x128xf32, #tpu.memory_space<vmem>>
        %dma_wait3A_476 = tpu.memref_squeeze %dma_wait3A_475 : memref<1x80x128xf32, #tpu.memory_space<vmem>> -> memref<80x128xf32, #tpu.memory_space<vmem>>
        %dma_wait3A_477 = arith.constant 0 : i32
        %dma_wait3A_478 = arith.constant 0 : i32
        %dma_wait3A_479 = tpu.memref_slice %arg11[%dma_wait3A_477, %dma_wait3A_478] : memref<320000x128xf32, #tpu.memory_space<hbm>> -> memref<80x128xf32, #tpu.memory_space<hbm>>
        tpu.wait_dma2 semaphore(%arg25 : memref<!tpu.dma_semaphore, #tpu.memory_space<semaphore_mem>>) src(%dma_wait3A_479 : memref<80x128xf32, #tpu.memory_space<hbm>>) dst(%dma_wait3A_476 : memref<80x128xf32, #tpu.memory_space<vmem>>)
      } else {
      }
      %add3A_326 = arith.constant 1 : i32
      %add3A_327 = arith.addi %scan3A_278, %add3A_326 : i32
      %lt3A = arith.constant 125 : i32
      %lt3A_328 = arith.cmpi slt, %add3A_327, %lt3A : i32
      %convert_element_type3A_329 = arith.extui %lt3A_328 : i1 to i32
      %cond3A_330 = arith.constant 0 : i32
      %cond3A_331 = arith.cmpi ne, %convert_element_type3A_329, %cond3A_330 : i32
      scf.if %cond3A_331 {
        %add3A_424 = arith.constant 1 : i32
        %add3A_425 = arith.addi %scan3A_278, %add3A_424 : i32
        %mul3A_426 = arith.constant 80 : i32
        %mul3A_427 = arith.muli %add3A_425, %mul3A_426 : i32
        %add3A_428 = arith.addi %mul3A_2, %mul3A_427 : i32
        %dma_start3A_429 = arith.constant 0 : i32
        %dma_start3A_430 = tpu.memref_slice %arg15[%sub3A_280, %dma_start3A_429] : memref<2x80xi32, #tpu.memory_space<vmem>> -> memref<1x80xi32, #tpu.memory_space<vmem>>
        %dma_start3A_431 = tpu.memref_squeeze %dma_start3A_430 : memref<1x80xi32, #tpu.memory_space<vmem>> -> memref<80xi32, #tpu.memory_space<vmem>>
        %dma_start3A_432 = tpu.memref_slice %arg6[%add3A_428] : memref<320000xi32, #tpu.memory_space<hbm>> -> memref<80xi32, #tpu.memory_space<hbm>>
        %dma_start3A_433 = arith.constant 0 : i32
        %dma_start3A_434 = tpu.memref_slice %arg15[%sub3A_280, %dma_start3A_433] : memref<2x80xi32, #tpu.memory_space<vmem>> -> memref<1x80xi32, #tpu.memory_space<vmem>>
        %dma_start3A_435 = tpu.memref_squeeze %dma_start3A_434 : memref<1x80xi32, #tpu.memory_space<vmem>> -> memref<80xi32, #tpu.memory_space<vmem>>
        %dma_start3A_436 = tpu.memref_slice %arg6[%add3A_428] : memref<320000xi32, #tpu.memory_space<hbm>> -> memref<80xi32, #tpu.memory_space<hbm>>
        tpu.enqueue_dma source(%dma_start3A_436 : memref<80xi32, #tpu.memory_space<hbm>>) target(%dma_start3A_435 : memref<80xi32, #tpu.memory_space<vmem>>) target_semaphore(%arg24 : memref<!tpu.dma_semaphore, #tpu.memory_space<semaphore_mem>>)
        %dma_start3A_437 = arith.constant 0 : i32
        %dma_start3A_438 = tpu.memref_slice %arg16[%sub3A_280, %dma_start3A_437] : memref<2x80xi32, #tpu.memory_space<vmem>> -> memref<1x80xi32, #tpu.memory_space<vmem>>
        %dma_start3A_439 = tpu.memref_squeeze %dma_start3A_438 : memref<1x80xi32, #tpu.memory_space<vmem>> -> memref<80xi32, #tpu.memory_space<vmem>>
        %dma_start3A_440 = tpu.memref_slice %arg7[%add3A_428] : memref<320000xi32, #tpu.memory_space<hbm>> -> memref<80xi32, #tpu.memory_space<hbm>>
        %dma_start3A_441 = arith.constant 0 : i32
        %dma_start3A_442 = tpu.memref_slice %arg16[%sub3A_280, %dma_start3A_441] : memref<2x80xi32, #tpu.memory_space<vmem>> -> memref<1x80xi32, #tpu.memory_space<vmem>>
        %dma_start3A_443 = tpu.memref_squeeze %dma_start3A_442 : memref<1x80xi32, #tpu.memory_space<vmem>> -> memref<80xi32, #tpu.memory_space<vmem>>
        %dma_start3A_444 = tpu.memref_slice %arg7[%add3A_428] : memref<320000xi32, #tpu.memory_space<hbm>> -> memref<80xi32, #tpu.memory_space<hbm>>
        tpu.enqueue_dma source(%dma_start3A_444 : memref<80xi32, #tpu.memory_space<hbm>>) target(%dma_start3A_443 : memref<80xi32, #tpu.memory_space<vmem>>) target_semaphore(%arg24 : memref<!tpu.dma_semaphore, #tpu.memory_space<semaphore_mem>>)
        %dma_start3A_445 = arith.constant 0 : i32
        %dma_start3A_446 = tpu.memref_slice %arg17[%sub3A_280, %dma_start3A_445] : memref<2x80xi32, #tpu.memory_space<vmem>> -> memref<1x80xi32, #tpu.memory_space<vmem>>
        %dma_start3A_447 = tpu.memref_squeeze %dma_start3A_446 : memref<1x80xi32, #tpu.memory_space<vmem>> -> memref<80xi32, #tpu.memory_space<vmem>>
        %dma_start3A_448 = tpu.memref_slice %arg8[%add3A_428] : memref<320000xi32, #tpu.memory_space<hbm>> -> memref<80xi32, #tpu.memory_space<hbm>>
        %dma_start3A_449 = arith.constant 0 : i32
        %dma_start3A_450 = tpu.memref_slice %arg17[%sub3A_280, %dma_start3A_449] : memref<2x80xi32, #tpu.memory_space<vmem>> -> memref<1x80xi32, #tpu.memory_space<vmem>>
        %dma_start3A_451 = tpu.memref_squeeze %dma_start3A_450 : memref<1x80xi32, #tpu.memory_space<vmem>> -> memref<80xi32, #tpu.memory_space<vmem>>
        %dma_start3A_452 = tpu.memref_slice %arg8[%add3A_428] : memref<320000xi32, #tpu.memory_space<hbm>> -> memref<80xi32, #tpu.memory_space<hbm>>
        tpu.enqueue_dma source(%dma_start3A_452 : memref<80xi32, #tpu.memory_space<hbm>>) target(%dma_start3A_451 : memref<80xi32, #tpu.memory_space<vmem>>) target_semaphore(%arg24 : memref<!tpu.dma_semaphore, #tpu.memory_space<semaphore_mem>>)
        %dma_start3A_453 = arith.constant 0 : i32
        %dma_start3A_454 = tpu.memref_slice %arg18[%sub3A_280, %dma_start3A_453] : memref<2x80xi32, #tpu.memory_space<vmem>> -> memref<1x80xi32, #tpu.memory_space<vmem>>
        %dma_start3A_455 = tpu.memref_squeeze %dma_start3A_454 : memref<1x80xi32, #tpu.memory_space<vmem>> -> memref<80xi32, #tpu.memory_space<vmem>>
        %dma_start3A_456 = tpu.memref_slice %arg9[%add3A_428] : memref<320000xi32, #tpu.memory_space<hbm>> -> memref<80xi32, #tpu.memory_space<hbm>>
        %dma_start3A_457 = arith.constant 0 : i32
        %dma_start3A_458 = tpu.memref_slice %arg18[%sub3A_280, %dma_start3A_457] : memref<2x80xi32, #tpu.memory_space<vmem>> -> memref<1x80xi32, #tpu.memory_space<vmem>>
        %dma_start3A_459 = tpu.memref_squeeze %dma_start3A_458 : memref<1x80xi32, #tpu.memory_space<vmem>> -> memref<80xi32, #tpu.memory_space<vmem>>
        %dma_start3A_460 = tpu.memref_slice %arg9[%add3A_428] : memref<320000xi32, #tpu.memory_space<hbm>> -> memref<80xi32, #tpu.memory_space<hbm>>
        tpu.enqueue_dma source(%dma_start3A_460 : memref<80xi32, #tpu.memory_space<hbm>>) target(%dma_start3A_459 : memref<80xi32, #tpu.memory_space<vmem>>) target_semaphore(%arg24 : memref<!tpu.dma_semaphore, #tpu.memory_space<semaphore_mem>>)
      } else {
      }
      %broadcast_in_dim3A = vector.broadcast %rem3A_279 : i32 to vector<16xi32>
      %iota3A = tpu.iota {dimensions = array<i32: 0>} : vector<16xi32>
      %add3A_332 = arith.constant 0 : i32
      %add3A_333 = vector.broadcast %add3A_332 : i32 to vector<16xi32>
      %add3A_334 = arith.addi %iota3A, %add3A_333 : vector<16xi32>
      %gather3A = tpu.vector_load_idx %arg18[%broadcast_in_dim3A, %add3A_334] : memref<2x80xi32, #tpu.memory_space<vmem>>[vector<16xi32>, vector<16xi32>], vector<16xi32>,
      %gather3A_335 = tpu.vector_load_idx %arg14[%gather3A] : memref<10000xi32, #tpu.memory_space<vmem>>[vector<16xi32>], vector<16xi32>,
      %swap3A = arith.index_cast %rem3A_279 : i32 to index
      %swap3A_336 = arith.constant 0 : index
      %swap3A_337 = tpu.vector_load %arg19[%swap3A, %swap3A_336] {strides = array<i32>} : memref<2x80xi32, #tpu.memory_space<vmem>>, vector<16xi32>,
      tpu.vector_store %arg19[%swap3A, %swap3A_336], %gather3A_335 {strides = array<i32>} : memref<2x80xi32, #tpu.memory_space<vmem>>, vector<16xi32>,
      %iota3A_338 = tpu.iota {dimensions = array<i32: 0>} : vector<16xi32>
      %add3A_339 = arith.constant 16 : i32
      %add3A_340 = vector.broadcast %add3A_339 : i32 to vector<16xi32>
      %add3A_341 = arith.addi %iota3A_338, %add3A_340 : vector<16xi32>
      %gather3A_342 = tpu.vector_load_idx %arg18[%broadcast_in_dim3A, %add3A_341] : memref<2x80xi32, #tpu.memory_space<vmem>>[vector<16xi32>, vector<16xi32>], vector<16xi32>,
      %gather3A_343 = tpu.vector_load_idx %arg14[%gather3A_342] : memref<10000xi32, #tpu.memory_space<vmem>>[vector<16xi32>], vector<16xi32>,
      %swap3A_344 = arith.index_cast %rem3A_279 : i32 to index
      %swap3A_345 = arith.constant 16 : index
      %swap3A_346 = tpu.vector_load %arg19[%swap3A_344, %swap3A_345] {strides = array<i32>} : memref<2x80xi32, #tpu.memory_space<vmem>>, vector<16xi32>,
      tpu.vector_store %arg19[%swap3A_344, %swap3A_345], %gather3A_343 {strides = array<i32>} : memref<2x80xi32, #tpu.memory_space<vmem>>, vector<16xi32>,
      %iota3A_347 = tpu.iota {dimensions = array<i32: 0>} : vector<16xi32>
      %add3A_348 = arith.constant 32 : i32
      %add3A_349 = vector.broadcast %add3A_348 : i32 to vector<16xi32>
      %add3A_350 = arith.addi %iota3A_347, %add3A_349 : vector<16xi32>
      %gather3A_351 = tpu.vector_load_idx %arg18[%broadcast_in_dim3A, %add3A_350] : memref<2x80xi32, #tpu.memory_space<vmem>>[vector<16xi32>, vector<16xi32>], vector<16xi32>,
      %gather3A_352 = tpu.vector_load_idx %arg14[%gather3A_351] : memref<10000xi32, #tpu.memory_space<vmem>>[vector<16xi32>], vector<16xi32>,
      %swap3A_353 = arith.index_cast %rem3A_279 : i32 to index
      %swap3A_354 = arith.constant 32 : index
      %swap3A_355 = tpu.vector_load %arg19[%swap3A_353, %swap3A_354] {strides = array<i32>} : memref<2x80xi32, #tpu.memory_space<vmem>>, vector<16xi32>,
      tpu.vector_store %arg19[%swap3A_353, %swap3A_354], %gather3A_352 {strides = array<i32>} : memref<2x80xi32, #tpu.memory_space<vmem>>, vector<16xi32>,
      %iota3A_356 = tpu.iota {dimensions = array<i32: 0>} : vector<16xi32>
      %add3A_357 = arith.constant 48 : i32
      %add3A_358 = vector.broadcast %add3A_357 : i32 to vector<16xi32>
      %add3A_359 = arith.addi %iota3A_356, %add3A_358 : vector<16xi32>
      %gather3A_360 = tpu.vector_load_idx %arg18[%broadcast_in_dim3A, %add3A_359] : memref<2x80xi32, #tpu.memory_space<vmem>>[vector<16xi32>, vector<16xi32>], vector<16xi32>,
      %gather3A_361 = tpu.vector_load_idx %arg14[%gather3A_360] : memref<10000xi32, #tpu.memory_space<vmem>>[vector<16xi32>], vector<16xi32>,
      %swap3A_362 = arith.index_cast %rem3A_279 : i32 to index
      %swap3A_363 = arith.constant 48 : index
      %swap3A_364 = tpu.vector_load %arg19[%swap3A_362, %swap3A_363] {strides = array<i32>} : memref<2x80xi32, #tpu.memory_space<vmem>>, vector<16xi32>,
      tpu.vector_store %arg19[%swap3A_362, %swap3A_363], %gather3A_361 {strides = array<i32>} : memref<2x80xi32, #tpu.memory_space<vmem>>, vector<16xi32>,
      %iota3A_365 = tpu.iota {dimensions = array<i32: 0>} : vector<16xi32>
      %add3A_366 = arith.constant 64 : i32
      %add3A_367 = vector.broadcast %add3A_366 : i32 to vector<16xi32>
      %add3A_368 = arith.addi %iota3A_365, %add3A_367 : vector<16xi32>
      %gather3A_369 = tpu.vector_load_idx %arg18[%broadcast_in_dim3A, %add3A_368] : memref<2x80xi32, #tpu.memory_space<vmem>>[vector<16xi32>, vector<16xi32>], vector<16xi32>,
      %gather3A_370 = tpu.vector_load_idx %arg14[%gather3A_369] : memref<10000xi32, #tpu.memory_space<vmem>>[vector<16xi32>], vector<16xi32>,
      %swap3A_371 = arith.index_cast %rem3A_279 : i32 to index
      %swap3A_372 = arith.constant 64 : index
      %swap3A_373 = tpu.vector_load %arg19[%swap3A_371, %swap3A_372] {strides = array<i32>} : memref<2x80xi32, #tpu.memory_space<vmem>>, vector<16xi32>,
      tpu.vector_store %arg19[%swap3A_371, %swap3A_372], %gather3A_370 {strides = array<i32>} : memref<2x80xi32, #tpu.memory_space<vmem>>, vector<16xi32>,
      %ge3A_374 = arith.constant 2 : i32
      %ge3A_375 = arith.cmpi sge, %scan3A_278, %ge3A_374 : i32
      %convert_element_type3A_376 = arith.extui %ge3A_375 : i1 to i32
      %cond3A_377 = arith.constant 0 : i32
      %cond3A_378 = arith.cmpi ne, %convert_element_type3A_376, %cond3A_377 : i32
      scf.if %cond3A_378 {
        %dma_wait3A_424 = arith.constant 0 : i32
        %dma_wait3A_425 = arith.constant 0 : i32
        %dma_wait3A_426 = tpu.memref_slice %arg20[%rem3A_279, %dma_wait3A_424, %dma_wait3A_425] : memref<2x80x128xf32, #tpu.memory_space<vmem>> -> memref<1x80x128xf32, #tpu.memory_space<vmem>>
        %dma_wait3A_427 = tpu.memref_squeeze %dma_wait3A_426 : memref<1x80x128xf32, #tpu.memory_space<vmem>> -> memref<80x128xf32, #tpu.memory_space<vmem>>
        %dma_wait3A_428 = arith.constant 0 : i32
        %dma_wait3A_429 = arith.constant 0 : i32
        %dma_wait3A_430 = tpu.memref_slice %arg11[%dma_wait3A_428, %dma_wait3A_429] : memref<320000x128xf32, #tpu.memory_space<hbm>> -> memref<80x128xf32, #tpu.memory_space<hbm>>
        %dma_wait3A_431 = arith.constant 0 : i32
        %dma_wait3A_432 = arith.constant 0 : i32
        %dma_wait3A_433 = tpu.memref_slice %arg11[%dma_wait3A_431, %dma_wait3A_432] : memref<320000x128xf32, #tpu.memory_space<hbm>> -> memref<80x128xf32, #tpu.memory_space<hbm>>
        %dma_wait3A_434 = arith.constant 0 : i32
        %dma_wait3A_435 = arith.constant 0 : i32
        %dma_wait3A_436 = tpu.memref_slice %arg20[%rem3A_279, %dma_wait3A_434, %dma_wait3A_435] : memref<2x80x128xf32, #tpu.memory_space<vmem>> -> memref<1x80x128xf32, #tpu.memory_space<vmem>>
        %dma_wait3A_437 = tpu.memref_squeeze %dma_wait3A_436 : memref<1x80x128xf32, #tpu.memory_space<vmem>> -> memref<80x128xf32, #tpu.memory_space<vmem>>
        tpu.wait_dma2 semaphore(%arg26 : memref<!tpu.dma_semaphore, #tpu.memory_space<semaphore_mem>>) src(%dma_wait3A_437 : memref<80x128xf32, #tpu.memory_space<vmem>>) dst(%dma_wait3A_433 : memref<80x128xf32, #tpu.memory_space<hbm>>)
        %dma_wait3A_438 = arith.constant 0 : i32
        %dma_wait3A_439 = arith.constant 0 : i32
        %dma_wait3A_440 = tpu.memref_slice %arg21[%rem3A_279, %dma_wait3A_438, %dma_wait3A_439] : memref<2x80x128xf32, #tpu.memory_space<vmem>> -> memref<1x80x128xf32, #tpu.memory_space<vmem>>
        %dma_wait3A_441 = tpu.memref_squeeze %dma_wait3A_440 : memref<1x80x128xf32, #tpu.memory_space<vmem>> -> memref<80x128xf32, #tpu.memory_space<vmem>>
        %dma_wait3A_442 = arith.constant 0 : i32
        %dma_wait3A_443 = arith.constant 0 : i32
        %dma_wait3A_444 = tpu.memref_slice %arg11[%dma_wait3A_442, %dma_wait3A_443] : memref<320000x128xf32, #tpu.memory_space<hbm>> -> memref<80x128xf32, #tpu.memory_space<hbm>>
        %dma_wait3A_445 = arith.constant 0 : i32
        %dma_wait3A_446 = arith.constant 0 : i32
        %dma_wait3A_447 = tpu.memref_slice %arg11[%dma_wait3A_445, %dma_wait3A_446] : memref<320000x128xf32, #tpu.memory_space<hbm>> -> memref<80x128xf32, #tpu.memory_space<hbm>>
        %dma_wait3A_448 = arith.constant 0 : i32
        %dma_wait3A_449 = arith.constant 0 : i32
        %dma_wait3A_450 = tpu.memref_slice %arg21[%rem3A_279, %dma_wait3A_448, %dma_wait3A_449] : memref<2x80x128xf32, #tpu.memory_space<vmem>> -> memref<1x80x128xf32, #tpu.memory_space<vmem>>
        %dma_wait3A_451 = tpu.memref_squeeze %dma_wait3A_450 : memref<1x80x128xf32, #tpu.memory_space<vmem>> -> memref<80x128xf32, #tpu.memory_space<vmem>>
        tpu.wait_dma2 semaphore(%arg26 : memref<!tpu.dma_semaphore, #tpu.memory_space<semaphore_mem>>) src(%dma_wait3A_451 : memref<80x128xf32, #tpu.memory_space<vmem>>) dst(%dma_wait3A_447 : memref<80x128xf32, #tpu.memory_space<hbm>>)
        %dma_wait3A_452 = arith.constant 0 : i32
        %dma_wait3A_453 = arith.constant 0 : i32
        %dma_wait3A_454 = tpu.memref_slice %arg22[%rem3A_279, %dma_wait3A_452, %dma_wait3A_453] : memref<2x80x128xf32, #tpu.memory_space<vmem>> -> memref<1x80x128xf32, #tpu.memory_space<vmem>>
        %dma_wait3A_455 = tpu.memref_squeeze %dma_wait3A_454 : memref<1x80x128xf32, #tpu.memory_space<vmem>> -> memref<80x128xf32, #tpu.memory_space<vmem>>
        %dma_wait3A_456 = arith.constant 0 : i32
        %dma_wait3A_457 = arith.constant 0 : i32
        %dma_wait3A_458 = tpu.memref_slice %arg11[%dma_wait3A_456, %dma_wait3A_457] : memref<320000x128xf32, #tpu.memory_space<hbm>> -> memref<80x128xf32, #tpu.memory_space<hbm>>
        %dma_wait3A_459 = arith.constant 0 : i32
        %dma_wait3A_460 = arith.constant 0 : i32
        %dma_wait3A_461 = tpu.memref_slice %arg11[%dma_wait3A_459, %dma_wait3A_460] : memref<320000x128xf32, #tpu.memory_space<hbm>> -> memref<80x128xf32, #tpu.memory_space<hbm>>
        %dma_wait3A_462 = arith.constant 0 : i32
        %dma_wait3A_463 = arith.constant 0 : i32
        %dma_wait3A_464 = tpu.memref_slice %arg22[%rem3A_279, %dma_wait3A_462, %dma_wait3A_463] : memref<2x80x128xf32, #tpu.memory_space<vmem>> -> memref<1x80x128xf32, #tpu.memory_space<vmem>>
        %dma_wait3A_465 = tpu.memref_squeeze %dma_wait3A_464 : memref<1x80x128xf32, #tpu.memory_space<vmem>> -> memref<80x128xf32, #tpu.memory_space<vmem>>
        tpu.wait_dma2 semaphore(%arg26 : memref<!tpu.dma_semaphore, #tpu.memory_space<semaphore_mem>>) src(%dma_wait3A_465 : memref<80x128xf32, #tpu.memory_space<vmem>>) dst(%dma_wait3A_461 : memref<80x128xf32, #tpu.memory_space<hbm>>)
        %dma_wait3A_466 = arith.constant 0 : i32
        %dma_wait3A_467 = arith.constant 0 : i32
        %dma_wait3A_468 = tpu.memref_slice %arg23[%rem3A_279, %dma_wait3A_466, %dma_wait3A_467] : memref<2x80x128xf32, #tpu.memory_space<vmem>> -> memref<1x80x128xf32, #tpu.memory_space<vmem>>
        %dma_wait3A_469 = tpu.memref_squeeze %dma_wait3A_468 : memref<1x80x128xf32, #tpu.memory_space<vmem>> -> memref<80x128xf32, #tpu.memory_space<vmem>>
        %dma_wait3A_470 = arith.constant 0 : i32
        %dma_wait3A_471 = arith.constant 0 : i32
        %dma_wait3A_472 = tpu.memref_slice %arg11[%dma_wait3A_470, %dma_wait3A_471] : memref<320000x128xf32, #tpu.memory_space<hbm>> -> memref<80x128xf32, #tpu.memory_space<hbm>>
        %dma_wait3A_473 = arith.constant 0 : i32
        %dma_wait3A_474 = arith.constant 0 : i32
        %dma_wait3A_475 = tpu.memref_slice %arg11[%dma_wait3A_473, %dma_wait3A_474] : memref<320000x128xf32, #tpu.memory_space<hbm>> -> memref<80x128xf32, #tpu.memory_space<hbm>>
        %dma_wait3A_476 = arith.constant 0 : i32
        %dma_wait3A_477 = arith.constant 0 : i32
        %dma_wait3A_478 = tpu.memref_slice %arg23[%rem3A_279, %dma_wait3A_476, %dma_wait3A_477] : memref<2x80x128xf32, #tpu.memory_space<vmem>> -> memref<1x80x128xf32, #tpu.memory_space<vmem>>
        %dma_wait3A_479 = tpu.memref_squeeze %dma_wait3A_478 : memref<1x80x128xf32, #tpu.memory_space<vmem>> -> memref<80x128xf32, #tpu.memory_space<vmem>>
        tpu.wait_dma2 semaphore(%arg26 : memref<!tpu.dma_semaphore, #tpu.memory_space<semaphore_mem>>) src(%dma_wait3A_479 : memref<80x128xf32, #tpu.memory_space<vmem>>) dst(%dma_wait3A_475 : memref<80x128xf32, #tpu.memory_space<hbm>>)
      } else {
      }
      %ge3A_379 = arith.constant 1 : i32
      %ge3A_380 = arith.cmpi sge, %scan3A_278, %ge3A_379 : i32
      %convert_element_type3A_381 = arith.extui %ge3A_380 : i1 to i32
      %cond3A_382 = arith.constant 0 : i32
      %cond3A_383 = arith.cmpi ne, %convert_element_type3A_381, %cond3A_382 : i32
      scf.if %cond3A_383 {
        %sub3A_424 = arith.constant 80 : i32
        %sub3A_425 = arith.subi %add3A_283, %sub3A_424 : i32
        %dma_start3A_426 = arith.constant 0 : i32
        %dma_start3A_427 = arith.constant 0 : i32
        %dma_start3A_428 = tpu.memref_slice %arg20[%sub3A_280, %dma_start3A_426, %dma_start3A_427] : memref<2x80x128xf32, #tpu.memory_space<vmem>> -> memref<1x80x128xf32, #tpu.memory_space<vmem>>
        %dma_start3A_429 = tpu.memref_squeeze %dma_start3A_428 : memref<1x80x128xf32, #tpu.memory_space<vmem>> -> memref<80x128xf32, #tpu.memory_space<vmem>>
        %dma_start3A_430 = arith.constant 0 : i32
        %dma_start3A_431 = tpu.memref_slice %arg10[%sub3A_425, %dma_start3A_430] : memref<320000x128xf32, #tpu.memory_space<hbm>> -> memref<80x128xf32, #tpu.memory_space<hbm>>
        %dma_start3A_432 = arith.constant 0 : i32
        %dma_start3A_433 = tpu.memref_slice %arg10[%sub3A_425, %dma_start3A_432] : memref<320000x128xf32, #tpu.memory_space<hbm>> -> memref<80x128xf32, #tpu.memory_space<hbm>>
        %dma_start3A_434 = arith.constant 0 : i32
        %dma_start3A_435 = arith.constant 0 : i32
        %dma_start3A_436 = tpu.memref_slice %arg20[%sub3A_280, %dma_start3A_434, %dma_start3A_435] : memref<2x80x128xf32, #tpu.memory_space<vmem>> -> memref<1x80x128xf32, #tpu.memory_space<vmem>>
        %dma_start3A_437 = tpu.memref_squeeze %dma_start3A_436 : memref<1x80x128xf32, #tpu.memory_space<vmem>> -> memref<80x128xf32, #tpu.memory_space<vmem>>
        tpu.enqueue_dma source(%dma_start3A_437 : memref<80x128xf32, #tpu.memory_space<vmem>>) target(%dma_start3A_433 : memref<80x128xf32, #tpu.memory_space<hbm>>) target_semaphore(%arg26 : memref<!tpu.dma_semaphore, #tpu.memory_space<semaphore_mem>>)
        %sub3A_438 = arith.constant 80 : i32
        %sub3A_439 = arith.subi %add3A_283, %sub3A_438 : i32
        %dma_start3A_440 = arith.constant 0 : i32
        %dma_start3A_441 = arith.constant 0 : i32
        %dma_start3A_442 = tpu.memref_slice %arg21[%sub3A_280, %dma_start3A_440, %dma_start3A_441] : memref<2x80x128xf32, #tpu.memory_space<vmem>> -> memref<1x80x128xf32, #tpu.memory_space<vmem>>
        %dma_start3A_443 = tpu.memref_squeeze %dma_start3A_442 : memref<1x80x128xf32, #tpu.memory_space<vmem>> -> memref<80x128xf32, #tpu.memory_space<vmem>>
        %dma_start3A_444 = arith.constant 0 : i32
        %dma_start3A_445 = tpu.memref_slice %arg11[%sub3A_439, %dma_start3A_444] : memref<320000x128xf32, #tpu.memory_space<hbm>> -> memref<80x128xf32, #tpu.memory_space<hbm>>
        %dma_start3A_446 = arith.constant 0 : i32
        %dma_start3A_447 = tpu.memref_slice %arg11[%sub3A_439, %dma_start3A_446] : memref<320000x128xf32, #tpu.memory_space<hbm>> -> memref<80x128xf32, #tpu.memory_space<hbm>>
        %dma_start3A_448 = arith.constant 0 : i32
        %dma_start3A_449 = arith.constant 0 : i32
        %dma_start3A_450 = tpu.memref_slice %arg21[%sub3A_280, %dma_start3A_448, %dma_start3A_449] : memref<2x80x128xf32, #tpu.memory_space<vmem>> -> memref<1x80x128xf32, #tpu.memory_space<vmem>>
        %dma_start3A_451 = tpu.memref_squeeze %dma_start3A_450 : memref<1x80x128xf32, #tpu.memory_space<vmem>> -> memref<80x128xf32, #tpu.memory_space<vmem>>
        tpu.enqueue_dma source(%dma_start3A_451 : memref<80x128xf32, #tpu.memory_space<vmem>>) target(%dma_start3A_447 : memref<80x128xf32, #tpu.memory_space<hbm>>) target_semaphore(%arg26 : memref<!tpu.dma_semaphore, #tpu.memory_space<semaphore_mem>>)
        %sub3A_452 = arith.constant 80 : i32
        %sub3A_453 = arith.subi %add3A_283, %sub3A_452 : i32
        %dma_start3A_454 = arith.constant 0 : i32
        %dma_start3A_455 = arith.constant 0 : i32
        %dma_start3A_456 = tpu.memref_slice %arg22[%sub3A_280, %dma_start3A_454, %dma_start3A_455] : memref<2x80x128xf32, #tpu.memory_space<vmem>> -> memref<1x80x128xf32, #tpu.memory_space<vmem>>
        %dma_start3A_457 = tpu.memref_squeeze %dma_start3A_456 : memref<1x80x128xf32, #tpu.memory_space<vmem>> -> memref<80x128xf32, #tpu.memory_space<vmem>>
        %dma_start3A_458 = arith.constant 0 : i32
        %dma_start3A_459 = tpu.memref_slice %arg12[%sub3A_453, %dma_start3A_458] : memref<320000x128xf32, #tpu.memory_space<hbm>> -> memref<80x128xf32, #tpu.memory_space<hbm>>
        %dma_start3A_460 = arith.constant 0 : i32
        %dma_start3A_461 = tpu.memref_slice %arg12[%sub3A_453, %dma_start3A_460] : memref<320000x128xf32, #tpu.memory_space<hbm>> -> memref<80x128xf32, #tpu.memory_space<hbm>>
        %dma_start3A_462 = arith.constant 0 : i32
        %dma_start3A_463 = arith.constant 0 : i32
        %dma_start3A_464 = tpu.memref_slice %arg22[%sub3A_280, %dma_start3A_462, %dma_start3A_463] : memref<2x80x128xf32, #tpu.memory_space<vmem>> -> memref<1x80x128xf32, #tpu.memory_space<vmem>>
        %dma_start3A_465 = tpu.memref_squeeze %dma_start3A_464 : memref<1x80x128xf32, #tpu.memory_space<vmem>> -> memref<80x128xf32, #tpu.memory_space<vmem>>
        tpu.enqueue_dma source(%dma_start3A_465 : memref<80x128xf32, #tpu.memory_space<vmem>>) target(%dma_start3A_461 : memref<80x128xf32, #tpu.memory_space<hbm>>) target_semaphore(%arg26 : memref<!tpu.dma_semaphore, #tpu.memory_space<semaphore_mem>>)
        %sub3A_466 = arith.constant 80 : i32
        %sub3A_467 = arith.subi %add3A_283, %sub3A_466 : i32
        %dma_start3A_468 = arith.constant 0 : i32
        %dma_start3A_469 = arith.constant 0 : i32
        %dma_start3A_470 = tpu.memref_slice %arg23[%sub3A_280, %dma_start3A_468, %dma_start3A_469] : memref<2x80x128xf32, #tpu.memory_space<vmem>> -> memref<1x80x128xf32, #tpu.memory_space<vmem>>
        %dma_start3A_471 = tpu.memref_squeeze %dma_start3A_470 : memref<1x80x128xf32, #tpu.memory_space<vmem>> -> memref<80x128xf32, #tpu.memory_space<vmem>>
        %dma_start3A_472 = arith.constant 0 : i32
        %dma_start3A_473 = tpu.memref_slice %arg13[%sub3A_467, %dma_start3A_472] : memref<320000x128xf32, #tpu.memory_space<hbm>> -> memref<80x128xf32, #tpu.memory_space<hbm>>
        %dma_start3A_474 = arith.constant 0 : i32
        %dma_start3A_475 = tpu.memref_slice %arg13[%sub3A_467, %dma_start3A_474] : memref<320000x128xf32, #tpu.memory_space<hbm>> -> memref<80x128xf32, #tpu.memory_space<hbm>>
        %dma_start3A_476 = arith.constant 0 : i32
        %dma_start3A_477 = arith.constant 0 : i32
        %dma_start3A_478 = tpu.memref_slice %arg23[%sub3A_280, %dma_start3A_476, %dma_start3A_477] : memref<2x80x128xf32, #tpu.memory_space<vmem>> -> memref<1x80x128xf32, #tpu.memory_space<vmem>>
        %dma_start3A_479 = tpu.memref_squeeze %dma_start3A_478 : memref<1x80x128xf32, #tpu.memory_space<vmem>> -> memref<80x128xf32, #tpu.memory_space<vmem>>
        tpu.enqueue_dma source(%dma_start3A_479 : memref<80x128xf32, #tpu.memory_space<vmem>>) target(%dma_start3A_475 : memref<80x128xf32, #tpu.memory_space<hbm>>) target_semaphore(%arg26 : memref<!tpu.dma_semaphore, #tpu.memory_space<semaphore_mem>>)
      } else {
      }
      %dma_start3A_384 = arith.constant 0 : i32
      %dma_start3A_385 = arith.constant 0 : i32
      %dma_start3A_386 = tpu.memref_slice %arg20[%rem3A_279, %dma_start3A_384, %dma_start3A_385] : memref<2x80x128xf32, #tpu.memory_space<vmem>> -> memref<1x80x128xf32, #tpu.memory_space<vmem>>
      %dma_start3A_387 = tpu.memref_squeeze %dma_start3A_386 : memref<1x80x128xf32, #tpu.memory_space<vmem>> -> memref<80x128xf32, #tpu.memory_space<vmem>>
      %dma_start3A_388 = arith.constant 0 : i32
      %dma_start3A_389 = tpu.memref_slice %arg15[%rem3A_279, %dma_start3A_388] : memref<2x80xi32, #tpu.memory_space<vmem>> -> memref<1x80xi32, #tpu.memory_space<vmem>>
      %dma_start3A_390 = tpu.memref_squeeze %dma_start3A_389 : memref<1x80xi32, #tpu.memory_space<vmem>> -> memref<80xi32, #tpu.memory_space<vmem>>
      %dma_start3A_391 = arith.constant 0 : i32
      %dma_start3A_392 = arith.constant 0 : i32
      %dma_start3A_393 = tpu.memref_slice %arg2[%dma_start3A_391, %dma_start3A_392] : memref<10001x128xf32, #tpu.memory_space<hbm>> -> memref<10001x128xf32, #tpu.memory_space<hbm>>
      tpu.enqueue_indirect_dma source(%dma_start3A_393 : memref<10001x128xf32, #tpu.memory_space<hbm>>) target(%dma_start3A_387 : memref<80x128xf32, #tpu.memory_space<vmem>>) offsets(%dma_start3A_390 : memref<80xi32, #tpu.memory_space<vmem>>) semaphore(%arg25 : memref<!tpu.dma_semaphore, #tpu.memory_space<semaphore_mem>>)
      %dma_start3A_394 = arith.constant 0 : i32
      %dma_start3A_395 = arith.constant 0 : i32
      %dma_start3A_396 = tpu.memref_slice %arg21[%rem3A_279, %dma_start3A_394, %dma_start3A_395] : memref<2x80x128xf32, #tpu.memory_space<vmem>> -> memref<1x80x128xf32, #tpu.memory_space<vmem>>
      %dma_start3A_397 = tpu.memref_squeeze %dma_start3A_396 : memref<1x80x128xf32, #tpu.memory_space<vmem>> -> memref<80x128xf32, #tpu.memory_space<vmem>>
      %dma_start3A_398 = arith.constant 0 : i32
      %dma_start3A_399 = tpu.memref_slice %arg17[%rem3A_279, %dma_start3A_398] : memref<2x80xi32, #tpu.memory_space<vmem>> -> memref<1x80xi32, #tpu.memory_space<vmem>>
      %dma_start3A_400 = tpu.memref_squeeze %dma_start3A_399 : memref<1x80xi32, #tpu.memory_space<vmem>> -> memref<80xi32, #tpu.memory_space<vmem>>
      %dma_start3A_401 = arith.constant 0 : i32
      %dma_start3A_402 = arith.constant 0 : i32
      %dma_start3A_403 = tpu.memref_slice %arg3[%dma_start3A_401, %dma_start3A_402] : memref<10000x128xf32, #tpu.memory_space<hbm>> -> memref<10000x128xf32, #tpu.memory_space<hbm>>
      tpu.enqueue_indirect_dma source(%dma_start3A_403 : memref<10000x128xf32, #tpu.memory_space<hbm>>) target(%dma_start3A_397 : memref<80x128xf32, #tpu.memory_space<vmem>>) offsets(%dma_start3A_400 : memref<80xi32, #tpu.memory_space<vmem>>) semaphore(%arg25 : memref<!tpu.dma_semaphore, #tpu.memory_space<semaphore_mem>>)
      %dma_start3A_404 = arith.constant 0 : i32
      %dma_start3A_405 = arith.constant 0 : i32
      %dma_start3A_406 = tpu.memref_slice %arg22[%rem3A_279, %dma_start3A_404, %dma_start3A_405] : memref<2x80x128xf32, #tpu.memory_space<vmem>> -> memref<1x80x128xf32, #tpu.memory_space<vmem>>
      %dma_start3A_407 = tpu.memref_squeeze %dma_start3A_406 : memref<1x80x128xf32, #tpu.memory_space<vmem>> -> memref<80x128xf32, #tpu.memory_space<vmem>>
      %dma_start3A_408 = arith.constant 0 : i32
      %dma_start3A_409 = tpu.memref_slice %arg19[%rem3A_279, %dma_start3A_408] : memref<2x80xi32, #tpu.memory_space<vmem>> -> memref<1x80xi32, #tpu.memory_space<vmem>>
      %dma_start3A_410 = tpu.memref_squeeze %dma_start3A_409 : memref<1x80xi32, #tpu.memory_space<vmem>> -> memref<80xi32, #tpu.memory_space<vmem>>
      %dma_start3A_411 = arith.constant 0 : i32
      %dma_start3A_412 = arith.constant 0 : i32
      %dma_start3A_413 = tpu.memref_slice %arg2[%dma_start3A_411, %dma_start3A_412] : memref<10001x128xf32, #tpu.memory_space<hbm>> -> memref<10001x128xf32, #tpu.memory_space<hbm>>
      tpu.enqueue_indirect_dma source(%dma_start3A_413 : memref<10001x128xf32, #tpu.memory_space<hbm>>) target(%dma_start3A_407 : memref<80x128xf32, #tpu.memory_space<vmem>>) offsets(%dma_start3A_410 : memref<80xi32, #tpu.memory_space<vmem>>) semaphore(%arg25 : memref<!tpu.dma_semaphore, #tpu.memory_space<semaphore_mem>>)
      %dma_start3A_414 = arith.constant 0 : i32
      %dma_start3A_415 = arith.constant 0 : i32
      %dma_start3A_416 = tpu.memref_slice %arg23[%rem3A_279, %dma_start3A_414, %dma_start3A_415] : memref<2x80x128xf32, #tpu.memory_space<vmem>> -> memref<1x80x128xf32, #tpu.memory_space<vmem>>
      %dma_start3A_417 = tpu.memref_squeeze %dma_start3A_416 : memref<1x80x128xf32, #tpu.memory_space<vmem>> -> memref<80x128xf32, #tpu.memory_space<vmem>>
      %dma_start3A_418 = arith.constant 0 : i32
      %dma_start3A_419 = tpu.memref_slice %arg16[%rem3A_279, %dma_start3A_418] : memref<2x80xi32, #tpu.memory_space<vmem>> -> memref<1x80xi32, #tpu.memory_space<vmem>>
      %dma_start3A_420 = tpu.memref_squeeze %dma_start3A_419 : memref<1x80xi32, #tpu.memory_space<vmem>> -> memref<80xi32, #tpu.memory_space<vmem>>
      %dma_start3A_421 = arith.constant 0 : i32
      %dma_start3A_422 = arith.constant 0 : i32
      %dma_start3A_423 = tpu.memref_slice %arg4[%dma_start3A_421, %dma_start3A_422] : memref<10000x128xf32, #tpu.memory_space<hbm>> -> memref<10000x128xf32, #tpu.memory_space<hbm>>
      tpu.enqueue_indirect_dma source(%dma_start3A_423 : memref<10000x128xf32, #tpu.memory_space<hbm>>) target(%dma_start3A_417 : memref<80x128xf32, #tpu.memory_space<vmem>>) offsets(%dma_start3A_420 : memref<80xi32, #tpu.memory_space<vmem>>) semaphore(%arg25 : memref<!tpu.dma_semaphore, #tpu.memory_space<semaphore_mem>>)
    }
    %scan3A_44 = arith.constant 125 : i32
    %add3A_45 = arith.constant 9920 : i32
    %add3A_46 = arith.addi %mul3A_2, %add3A_45 : i32
    %dma_wait3A = arith.constant 0 : i32
    %dma_wait3A_47 = arith.constant 0 : i32
    %dma_wait3A_48 = arith.constant 0 : i32
    %dma_wait3A_49 = tpu.memref_slice %arg20[%dma_wait3A, %dma_wait3A_47, %dma_wait3A_48] : memref<2x80x128xf32, #tpu.memory_space<vmem>> -> memref<1x80x128xf32, #tpu.memory_space<vmem>>
    %dma_wait3A_50 = tpu.memref_squeeze %dma_wait3A_49 : memref<1x80x128xf32, #tpu.memory_space<vmem>> -> memref<80x128xf32, #tpu.memory_space<vmem>>
    %dma_wait3A_51 = arith.constant 0 : i32
    %dma_wait3A_52 = arith.constant 0 : i32
    %dma_wait3A_53 = tpu.memref_slice %arg11[%dma_wait3A_51, %dma_wait3A_52] : memref<320000x128xf32, #tpu.memory_space<hbm>> -> memref<80x128xf32, #tpu.memory_space<hbm>>
    %dma_wait3A_54 = arith.constant 0 : i32
    %dma_wait3A_55 = arith.constant 0 : i32
    %dma_wait3A_56 = tpu.memref_slice %arg20[%dma_wait3A, %dma_wait3A_54, %dma_wait3A_55] : memref<2x80x128xf32, #tpu.memory_space<vmem>> -> memref<1x80x128xf32, #tpu.memory_space<vmem>>
    %dma_wait3A_57 = tpu.memref_squeeze %dma_wait3A_56 : memref<1x80x128xf32, #tpu.memory_space<vmem>> -> memref<80x128xf32, #tpu.memory_space<vmem>>
    %dma_wait3A_58 = arith.constant 0 : i32
    %dma_wait3A_59 = arith.constant 0 : i32
    %dma_wait3A_60 = tpu.memref_slice %arg11[%dma_wait3A_58, %dma_wait3A_59] : memref<320000x128xf32, #tpu.memory_space<hbm>> -> memref<80x128xf32, #tpu.memory_space<hbm>>
    tpu.wait_dma2 semaphore(%arg25 : memref<!tpu.dma_semaphore, #tpu.memory_space<semaphore_mem>>) src(%dma_wait3A_60 : memref<80x128xf32, #tpu.memory_space<hbm>>) dst(%dma_wait3A_57 : memref<80x128xf32, #tpu.memory_space<vmem>>)
    %dma_wait3A_61 = arith.constant 0 : i32
    %dma_wait3A_62 = arith.constant 0 : i32
    %dma_wait3A_63 = arith.constant 0 : i32
    %dma_wait3A_64 = tpu.memref_slice %arg21[%dma_wait3A_61, %dma_wait3A_62, %dma_wait3A_63] : memref<2x80x128xf32, #tpu.memory_space<vmem>> -> memref<1x80x128xf32, #tpu.memory_space<vmem>>
    %dma_wait3A_65 = tpu.memref_squeeze %dma_wait3A_64 : memref<1x80x128xf32, #tpu.memory_space<vmem>> -> memref<80x128xf32, #tpu.memory_space<vmem>>
    %dma_wait3A_66 = arith.constant 0 : i32
    %dma_wait3A_67 = arith.constant 0 : i32
    %dma_wait3A_68 = tpu.memref_slice %arg11[%dma_wait3A_66, %dma_wait3A_67] : memref<320000x128xf32, #tpu.memory_space<hbm>> -> memref<80x128xf32, #tpu.memory_space<hbm>>
    %dma_wait3A_69 = arith.constant 0 : i32
    %dma_wait3A_70 = arith.constant 0 : i32
    %dma_wait3A_71 = tpu.memref_slice %arg21[%dma_wait3A_61, %dma_wait3A_69, %dma_wait3A_70] : memref<2x80x128xf32, #tpu.memory_space<vmem>> -> memref<1x80x128xf32, #tpu.memory_space<vmem>>
    %dma_wait3A_72 = tpu.memref_squeeze %dma_wait3A_71 : memref<1x80x128xf32, #tpu.memory_space<vmem>> -> memref<80x128xf32, #tpu.memory_space<vmem>>
    %dma_wait3A_73 = arith.constant 0 : i32
    %dma_wait3A_74 = arith.constant 0 : i32
    %dma_wait3A_75 = tpu.memref_slice %arg11[%dma_wait3A_73, %dma_wait3A_74] : memref<320000x128xf32, #tpu.memory_space<hbm>> -> memref<80x128xf32, #tpu.memory_space<hbm>>
    tpu.wait_dma2 semaphore(%arg25 : memref<!tpu.dma_semaphore, #tpu.memory_space<semaphore_mem>>) src(%dma_wait3A_75 : memref<80x128xf32, #tpu.memory_space<hbm>>) dst(%dma_wait3A_72 : memref<80x128xf32, #tpu.memory_space<vmem>>)
    %dma_wait3A_76 = arith.constant 0 : i32
    %dma_wait3A_77 = arith.constant 0 : i32
    %dma_wait3A_78 = arith.constant 0 : i32
    %dma_wait3A_79 = tpu.memref_slice %arg22[%dma_wait3A_76, %dma_wait3A_77, %dma_wait3A_78] : memref<2x80x128xf32, #tpu.memory_space<vmem>> -> memref<1x80x128xf32, #tpu.memory_space<vmem>>
    %dma_wait3A_80 = tpu.memref_squeeze %dma_wait3A_79 : memref<1x80x128xf32, #tpu.memory_space<vmem>> -> memref<80x128xf32, #tpu.memory_space<vmem>>
    %dma_wait3A_81 = arith.constant 0 : i32
    %dma_wait3A_82 = arith.constant 0 : i32
    %dma_wait3A_83 = tpu.memref_slice %arg11[%dma_wait3A_81, %dma_wait3A_82] : memref<320000x128xf32, #tpu.memory_space<hbm>> -> memref<80x128xf32, #tpu.memory_space<hbm>>
    %dma_wait3A_84 = arith.constant 0 : i32
    %dma_wait3A_85 = arith.constant 0 : i32
    %dma_wait3A_86 = tpu.memref_slice %arg22[%dma_wait3A_76, %dma_wait3A_84, %dma_wait3A_85] : memref<2x80x128xf32, #tpu.memory_space<vmem>> -> memref<1x80x128xf32, #tpu.memory_space<vmem>>
    %dma_wait3A_87 = tpu.memref_squeeze %dma_wait3A_86 : memref<1x80x128xf32, #tpu.memory_space<vmem>> -> memref<80x128xf32, #tpu.memory_space<vmem>>
    %dma_wait3A_88 = arith.constant 0 : i32
    %dma_wait3A_89 = arith.constant 0 : i32
    %dma_wait3A_90 = tpu.memref_slice %arg11[%dma_wait3A_88, %dma_wait3A_89] : memref<320000x128xf32, #tpu.memory_space<hbm>> -> memref<80x128xf32, #tpu.memory_space<hbm>>
    tpu.wait_dma2 semaphore(%arg25 : memref<!tpu.dma_semaphore, #tpu.memory_space<semaphore_mem>>) src(%dma_wait3A_90 : memref<80x128xf32, #tpu.memory_space<hbm>>) dst(%dma_wait3A_87 : memref<80x128xf32, #tpu.memory_space<vmem>>)
    %dma_wait3A_91 = arith.constant 0 : i32
    %dma_wait3A_92 = arith.constant 0 : i32
    %dma_wait3A_93 = arith.constant 0 : i32
    %dma_wait3A_94 = tpu.memref_slice %arg23[%dma_wait3A_91, %dma_wait3A_92, %dma_wait3A_93] : memref<2x80x128xf32, #tpu.memory_space<vmem>> -> memref<1x80x128xf32, #tpu.memory_space<vmem>>
    %dma_wait3A_95 = tpu.memref_squeeze %dma_wait3A_94 : memref<1x80x128xf32, #tpu.memory_space<vmem>> -> memref<80x128xf32, #tpu.memory_space<vmem>>
    %dma_wait3A_96 = arith.constant 0 : i32
    %dma_wait3A_97 = arith.constant 0 : i32
    %dma_wait3A_98 = tpu.memref_slice %arg11[%dma_wait3A_96, %dma_wait3A_97] : memref<320000x128xf32, #tpu.memory_space<hbm>> -> memref<80x128xf32, #tpu.memory_space<hbm>>
    %dma_wait3A_99 = arith.constant 0 : i32
    %dma_wait3A_100 = arith.constant 0 : i32
    %dma_wait3A_101 = tpu.memref_slice %arg23[%dma_wait3A_91, %dma_wait3A_99, %dma_wait3A_100] : memref<2x80x128xf32, #tpu.memory_space<vmem>> -> memref<1x80x128xf32, #tpu.memory_space<vmem>>
    %dma_wait3A_102 = tpu.memref_squeeze %dma_wait3A_101 : memref<1x80x128xf32, #tpu.memory_space<vmem>> -> memref<80x128xf32, #tpu.memory_space<vmem>>
    %dma_wait3A_103 = arith.constant 0 : i32
    %dma_wait3A_104 = arith.constant 0 : i32
    %dma_wait3A_105 = tpu.memref_slice %arg11[%dma_wait3A_103, %dma_wait3A_104] : memref<320000x128xf32, #tpu.memory_space<hbm>> -> memref<80x128xf32, #tpu.memory_space<hbm>>
    tpu.wait_dma2 semaphore(%arg25 : memref<!tpu.dma_semaphore, #tpu.memory_space<semaphore_mem>>) src(%dma_wait3A_105 : memref<80x128xf32, #tpu.memory_space<hbm>>) dst(%dma_wait3A_102 : memref<80x128xf32, #tpu.memory_space<vmem>>)
    %dma_start3A_106 = arith.constant 0 : i32
    %dma_start3A_107 = arith.constant 0 : i32
    %dma_start3A_108 = arith.constant 0 : i32
    %dma_start3A_109 = tpu.memref_slice %arg20[%dma_start3A_106, %dma_start3A_107, %dma_start3A_108] : memref<2x80x128xf32, #tpu.memory_space<vmem>> -> memref<1x80x128xf32, #tpu.memory_space<vmem>>
    %dma_start3A_110 = tpu.memref_squeeze %dma_start3A_109 : memref<1x80x128xf32, #tpu.memory_space<vmem>> -> memref<80x128xf32, #tpu.memory_space<vmem>>
    %dma_start3A_111 = arith.constant 0 : i32
    %dma_start3A_112 = tpu.memref_slice %arg10[%add3A_46, %dma_start3A_111] : memref<320000x128xf32, #tpu.memory_space<hbm>> -> memref<80x128xf32, #tpu.memory_space<hbm>>
    %dma_start3A_113 = arith.constant 0 : i32
    %dma_start3A_114 = tpu.memref_slice %arg10[%add3A_46, %dma_start3A_113] : memref<320000x128xf32, #tpu.memory_space<hbm>> -> memref<80x128xf32, #tpu.memory_space<hbm>>
    %dma_start3A_115 = arith.constant 0 : i32
    %dma_start3A_116 = arith.constant 0 : i32
    %dma_start3A_117 = tpu.memref_slice %arg20[%dma_start3A_106, %dma_start3A_115, %dma_start3A_116] : memref<2x80x128xf32, #tpu.memory_space<vmem>> -> memref<1x80x128xf32, #tpu.memory_space<vmem>>
    %dma_start3A_118 = tpu.memref_squeeze %dma_start3A_117 : memref<1x80x128xf32, #tpu.memory_space<vmem>> -> memref<80x128xf32, #tpu.memory_space<vmem>>
    tpu.enqueue_dma source(%dma_start3A_118 : memref<80x128xf32, #tpu.memory_space<vmem>>) target(%dma_start3A_114 : memref<80x128xf32, #tpu.memory_space<hbm>>) target_semaphore(%arg26 : memref<!tpu.dma_semaphore, #tpu.memory_space<semaphore_mem>>)
    %dma_start3A_119 = arith.constant 0 : i32
    %dma_start3A_120 = arith.constant 0 : i32
    %dma_start3A_121 = arith.constant 0 : i32
    %dma_start3A_122 = tpu.memref_slice %arg21[%dma_start3A_119, %dma_start3A_120, %dma_start3A_121] : memref<2x80x128xf32, #tpu.memory_space<vmem>> -> memref<1x80x128xf32, #tpu.memory_space<vmem>>
    %dma_start3A_123 = tpu.memref_squeeze %dma_start3A_122 : memref<1x80x128xf32, #tpu.memory_space<vmem>> -> memref<80x128xf32, #tpu.memory_space<vmem>>
    %dma_start3A_124 = arith.constant 0 : i32
    %dma_start3A_125 = tpu.memref_slice %arg11[%add3A_46, %dma_start3A_124] : memref<320000x128xf32, #tpu.memory_space<hbm>> -> memref<80x128xf32, #tpu.memory_space<hbm>>
    %dma_start3A_126 = arith.constant 0 : i32
    %dma_start3A_127 = tpu.memref_slice %arg11[%add3A_46, %dma_start3A_126] : memref<320000x128xf32, #tpu.memory_space<hbm>> -> memref<80x128xf32, #tpu.memory_space<hbm>>
    %dma_start3A_128 = arith.constant 0 : i32
    %dma_start3A_129 = arith.constant 0 : i32
    %dma_start3A_130 = tpu.memref_slice %arg21[%dma_start3A_119, %dma_start3A_128, %dma_start3A_129] : memref<2x80x128xf32, #tpu.memory_space<vmem>> -> memref<1x80x128xf32, #tpu.memory_space<vmem>>
    %dma_start3A_131 = tpu.memref_squeeze %dma_start3A_130 : memref<1x80x128xf32, #tpu.memory_space<vmem>> -> memref<80x128xf32, #tpu.memory_space<vmem>>
    tpu.enqueue_dma source(%dma_start3A_131 : memref<80x128xf32, #tpu.memory_space<vmem>>) target(%dma_start3A_127 : memref<80x128xf32, #tpu.memory_space<hbm>>) target_semaphore(%arg26 : memref<!tpu.dma_semaphore, #tpu.memory_space<semaphore_mem>>)
    %dma_start3A_132 = arith.constant 0 : i32
    %dma_start3A_133 = arith.constant 0 : i32
    %dma_start3A_134 = arith.constant 0 : i32
    %dma_start3A_135 = tpu.memref_slice %arg22[%dma_start3A_132, %dma_start3A_133, %dma_start3A_134] : memref<2x80x128xf32, #tpu.memory_space<vmem>> -> memref<1x80x128xf32, #tpu.memory_space<vmem>>
    %dma_start3A_136 = tpu.memref_squeeze %dma_start3A_135 : memref<1x80x128xf32, #tpu.memory_space<vmem>> -> memref<80x128xf32, #tpu.memory_space<vmem>>
    %dma_start3A_137 = arith.constant 0 : i32
    %dma_start3A_138 = tpu.memref_slice %arg12[%add3A_46, %dma_start3A_137] : memref<320000x128xf32, #tpu.memory_space<hbm>> -> memref<80x128xf32, #tpu.memory_space<hbm>>
    %dma_start3A_139 = arith.constant 0 : i32
    %dma_start3A_140 = tpu.memref_slice %arg12[%add3A_46, %dma_start3A_139] : memref<320000x128xf32, #tpu.memory_space<hbm>> -> memref<80x128xf32, #tpu.memory_space<hbm>>
    %dma_start3A_141 = arith.constant 0 : i32
    %dma_start3A_142 = arith.constant 0 : i32
    %dma_start3A_143 = tpu.memref_slice %arg22[%dma_start3A_132, %dma_start3A_141, %dma_start3A_142] : memref<2x80x128xf32, #tpu.memory_space<vmem>> -> memref<1x80x128xf32, #tpu.memory_space<vmem>>
    %dma_start3A_144 = tpu.memref_squeeze %dma_start3A_143 : memref<1x80x128xf32, #tpu.memory_space<vmem>> -> memref<80x128xf32, #tpu.memory_space<vmem>>
    tpu.enqueue_dma source(%dma_start3A_144 : memref<80x128xf32, #tpu.memory_space<vmem>>) target(%dma_start3A_140 : memref<80x128xf32, #tpu.memory_space<hbm>>) target_semaphore(%arg26 : memref<!tpu.dma_semaphore, #tpu.memory_space<semaphore_mem>>)
    %dma_start3A_145 = arith.constant 0 : i32
    %dma_start3A_146 = arith.constant 0 : i32
    %dma_start3A_147 = arith.constant 0 : i32
    %dma_start3A_148 = tpu.memref_slice %arg23[%dma_start3A_145, %dma_start3A_146, %dma_start3A_147] : memref<2x80x128xf32, #tpu.memory_space<vmem>> -> memref<1x80x128xf32, #tpu.memory_space<vmem>>
    %dma_start3A_149 = tpu.memref_squeeze %dma_start3A_148 : memref<1x80x128xf32, #tpu.memory_space<vmem>> -> memref<80x128xf32, #tpu.memory_space<vmem>>
    %dma_start3A_150 = arith.constant 0 : i32
    %dma_start3A_151 = tpu.memref_slice %arg13[%add3A_46, %dma_start3A_150] : memref<320000x128xf32, #tpu.memory_space<hbm>> -> memref<80x128xf32, #tpu.memory_space<hbm>>
    %dma_start3A_152 = arith.constant 0 : i32
    %dma_start3A_153 = tpu.memref_slice %arg13[%add3A_46, %dma_start3A_152] : memref<320000x128xf32, #tpu.memory_space<hbm>> -> memref<80x128xf32, #tpu.memory_space<hbm>>
    %dma_start3A_154 = arith.constant 0 : i32
    %dma_start3A_155 = arith.constant 0 : i32
    %dma_start3A_156 = tpu.memref_slice %arg23[%dma_start3A_145, %dma_start3A_154, %dma_start3A_155] : memref<2x80x128xf32, #tpu.memory_space<vmem>> -> memref<1x80x128xf32, #tpu.memory_space<vmem>>
    %dma_start3A_157 = tpu.memref_squeeze %dma_start3A_156 : memref<1x80x128xf32, #tpu.memory_space<vmem>> -> memref<80x128xf32, #tpu.memory_space<vmem>>
    tpu.enqueue_dma source(%dma_start3A_157 : memref<80x128xf32, #tpu.memory_space<vmem>>) target(%dma_start3A_153 : memref<80x128xf32, #tpu.memory_space<hbm>>) target_semaphore(%arg26 : memref<!tpu.dma_semaphore, #tpu.memory_space<semaphore_mem>>)
    %dma_wait3A_158 = arith.constant 0 : i32
    %dma_wait3A_159 = arith.constant 0 : i32
    %dma_wait3A_160 = arith.constant 0 : i32
    %dma_wait3A_161 = tpu.memref_slice %arg20[%dma_wait3A_158, %dma_wait3A_159, %dma_wait3A_160] : memref<2x80x128xf32, #tpu.memory_space<vmem>> -> memref<1x80x128xf32, #tpu.memory_space<vmem>>
    %dma_wait3A_162 = tpu.memref_squeeze %dma_wait3A_161 : memref<1x80x128xf32, #tpu.memory_space<vmem>> -> memref<80x128xf32, #tpu.memory_space<vmem>>
    %dma_wait3A_163 = arith.constant 0 : i32
    %dma_wait3A_164 = arith.constant 0 : i32
    %dma_wait3A_165 = tpu.memref_slice %arg11[%dma_wait3A_163, %dma_wait3A_164] : memref<320000x128xf32, #tpu.memory_space<hbm>> -> memref<80x128xf32, #tpu.memory_space<hbm>>
    %dma_wait3A_166 = arith.constant 0 : i32
    %dma_wait3A_167 = arith.constant 0 : i32
    %dma_wait3A_168 = tpu.memref_slice %arg11[%dma_wait3A_166, %dma_wait3A_167] : memref<320000x128xf32, #tpu.memory_space<hbm>> -> memref<80x128xf32, #tpu.memory_space<hbm>>
    %dma_wait3A_169 = arith.constant 0 : i32
    %dma_wait3A_170 = arith.constant 0 : i32
    %dma_wait3A_171 = tpu.memref_slice %arg20[%dma_wait3A_158, %dma_wait3A_169, %dma_wait3A_170] : memref<2x80x128xf32, #tpu.memory_space<vmem>> -> memref<1x80x128xf32, #tpu.memory_space<vmem>>
    %dma_wait3A_172 = tpu.memref_squeeze %dma_wait3A_171 : memref<1x80x128xf32, #tpu.memory_space<vmem>> -> memref<80x128xf32, #tpu.memory_space<vmem>>
    tpu.wait_dma2 semaphore(%arg26 : memref<!tpu.dma_semaphore, #tpu.memory_space<semaphore_mem>>) src(%dma_wait3A_172 : memref<80x128xf32, #tpu.memory_space<vmem>>) dst(%dma_wait3A_168 : memref<80x128xf32, #tpu.memory_space<hbm>>)
    %dma_wait3A_173 = arith.constant 0 : i32
    %dma_wait3A_174 = arith.constant 0 : i32
    %dma_wait3A_175 = arith.constant 0 : i32
    %dma_wait3A_176 = tpu.memref_slice %arg21[%dma_wait3A_173, %dma_wait3A_174, %dma_wait3A_175] : memref<2x80x128xf32, #tpu.memory_space<vmem>> -> memref<1x80x128xf32, #tpu.memory_space<vmem>>
    %dma_wait3A_177 = tpu.memref_squeeze %dma_wait3A_176 : memref<1x80x128xf32, #tpu.memory_space<vmem>> -> memref<80x128xf32, #tpu.memory_space<vmem>>
    %dma_wait3A_178 = arith.constant 0 : i32
    %dma_wait3A_179 = arith.constant 0 : i32
    %dma_wait3A_180 = tpu.memref_slice %arg11[%dma_wait3A_178, %dma_wait3A_179] : memref<320000x128xf32, #tpu.memory_space<hbm>> -> memref<80x128xf32, #tpu.memory_space<hbm>>
    %dma_wait3A_181 = arith.constant 0 : i32
    %dma_wait3A_182 = arith.constant 0 : i32
    %dma_wait3A_183 = tpu.memref_slice %arg11[%dma_wait3A_181, %dma_wait3A_182] : memref<320000x128xf32, #tpu.memory_space<hbm>> -> memref<80x128xf32, #tpu.memory_space<hbm>>
    %dma_wait3A_184 = arith.constant 0 : i32
    %dma_wait3A_185 = arith.constant 0 : i32
    %dma_wait3A_186 = tpu.memref_slice %arg21[%dma_wait3A_173, %dma_wait3A_184, %dma_wait3A_185] : memref<2x80x128xf32, #tpu.memory_space<vmem>> -> memref<1x80x128xf32, #tpu.memory_space<vmem>>
    %dma_wait3A_187 = tpu.memref_squeeze %dma_wait3A_186 : memref<1x80x128xf32, #tpu.memory_space<vmem>> -> memref<80x128xf32, #tpu.memory_space<vmem>>
    tpu.wait_dma2 semaphore(%arg26 : memref<!tpu.dma_semaphore, #tpu.memory_space<semaphore_mem>>) src(%dma_wait3A_187 : memref<80x128xf32, #tpu.memory_space<vmem>>) dst(%dma_wait3A_183 : memref<80x128xf32, #tpu.memory_space<hbm>>)
    %dma_wait3A_188 = arith.constant 0 : i32
    %dma_wait3A_189 = arith.constant 0 : i32
    %dma_wait3A_190 = arith.constant 0 : i32
    %dma_wait3A_191 = tpu.memref_slice %arg22[%dma_wait3A_188, %dma_wait3A_189, %dma_wait3A_190] : memref<2x80x128xf32, #tpu.memory_space<vmem>> -> memref<1x80x128xf32, #tpu.memory_space<vmem>>
    %dma_wait3A_192 = tpu.memref_squeeze %dma_wait3A_191 : memref<1x80x128xf32, #tpu.memory_space<vmem>> -> memref<80x128xf32, #tpu.memory_space<vmem>>
    %dma_wait3A_193 = arith.constant 0 : i32
    %dma_wait3A_194 = arith.constant 0 : i32
    %dma_wait3A_195 = tpu.memref_slice %arg11[%dma_wait3A_193, %dma_wait3A_194] : memref<320000x128xf32, #tpu.memory_space<hbm>> -> memref<80x128xf32, #tpu.memory_space<hbm>>
    %dma_wait3A_196 = arith.constant 0 : i32
    %dma_wait3A_197 = arith.constant 0 : i32
    %dma_wait3A_198 = tpu.memref_slice %arg11[%dma_wait3A_196, %dma_wait3A_197] : memref<320000x128xf32, #tpu.memory_space<hbm>> -> memref<80x128xf32, #tpu.memory_space<hbm>>
    %dma_wait3A_199 = arith.constant 0 : i32
    %dma_wait3A_200 = arith.constant 0 : i32
    %dma_wait3A_201 = tpu.memref_slice %arg22[%dma_wait3A_188, %dma_wait3A_199, %dma_wait3A_200] : memref<2x80x128xf32, #tpu.memory_space<vmem>> -> memref<1x80x128xf32, #tpu.memory_space<vmem>>
    %dma_wait3A_202 = tpu.memref_squeeze %dma_wait3A_201 : memref<1x80x128xf32, #tpu.memory_space<vmem>> -> memref<80x128xf32, #tpu.memory_space<vmem>>
    tpu.wait_dma2 semaphore(%arg26 : memref<!tpu.dma_semaphore, #tpu.memory_space<semaphore_mem>>) src(%dma_wait3A_202 : memref<80x128xf32, #tpu.memory_space<vmem>>) dst(%dma_wait3A_198 : memref<80x128xf32, #tpu.memory_space<hbm>>)
    %dma_wait3A_203 = arith.constant 0 : i32
    %dma_wait3A_204 = arith.constant 0 : i32
    %dma_wait3A_205 = arith.constant 0 : i32
    %dma_wait3A_206 = tpu.memref_slice %arg23[%dma_wait3A_203, %dma_wait3A_204, %dma_wait3A_205] : memref<2x80x128xf32, #tpu.memory_space<vmem>> -> memref<1x80x128xf32, #tpu.memory_space<vmem>>
    %dma_wait3A_207 = tpu.memref_squeeze %dma_wait3A_206 : memref<1x80x128xf32, #tpu.memory_space<vmem>> -> memref<80x128xf32, #tpu.memory_space<vmem>>
    %dma_wait3A_208 = arith.constant 0 : i32
    %dma_wait3A_209 = arith.constant 0 : i32
    %dma_wait3A_210 = tpu.memref_slice %arg11[%dma_wait3A_208, %dma_wait3A_209] : memref<320000x128xf32, #tpu.memory_space<hbm>> -> memref<80x128xf32, #tpu.memory_space<hbm>>
    %dma_wait3A_211 = arith.constant 0 : i32
    %dma_wait3A_212 = arith.constant 0 : i32
    %dma_wait3A_213 = tpu.memref_slice %arg11[%dma_wait3A_211, %dma_wait3A_212] : memref<320000x128xf32, #tpu.memory_space<hbm>> -> memref<80x128xf32, #tpu.memory_space<hbm>>
    %dma_wait3A_214 = arith.constant 0 : i32
    %dma_wait3A_215 = arith.constant 0 : i32
    %dma_wait3A_216 = tpu.memref_slice %arg23[%dma_wait3A_203, %dma_wait3A_214, %dma_wait3A_215] : memref<2x80x128xf32, #tpu.memory_space<vmem>> -> memref<1x80x128xf32, #tpu.memory_space<vmem>>
    %dma_wait3A_217 = tpu.memref_squeeze %dma_wait3A_216 : memref<1x80x128xf32, #tpu.memory_space<vmem>> -> memref<80x128xf32, #tpu.memory_space<vmem>>
    tpu.wait_dma2 semaphore(%arg26 : memref<!tpu.dma_semaphore, #tpu.memory_space<semaphore_mem>>) src(%dma_wait3A_217 : memref<80x128xf32, #tpu.memory_space<vmem>>) dst(%dma_wait3A_213 : memref<80x128xf32, #tpu.memory_space<hbm>>)
    %dma_wait3A_218 = arith.constant 0 : i32
    %dma_wait3A_219 = arith.constant 0 : i32
    %dma_wait3A_220 = arith.constant 0 : i32
    %dma_wait3A_221 = tpu.memref_slice %arg20[%dma_wait3A_218, %dma_wait3A_219, %dma_wait3A_220] : memref<2x80x128xf32, #tpu.memory_space<vmem>> -> memref<1x80x128xf32, #tpu.memory_space<vmem>>
    %dma_wait3A_222 = tpu.memref_squeeze %dma_wait3A_221 : memref<1x80x128xf32, #tpu.memory_space<vmem>> -> memref<80x128xf32, #tpu.memory_space<vmem>>
    %dma_wait3A_223 = arith.constant 0 : i32
    %dma_wait3A_224 = arith.constant 0 : i32
    %dma_wait3A_225 = tpu.memref_slice %arg11[%dma_wait3A_223, %dma_wait3A_224] : memref<320000x128xf32, #tpu.memory_space<hbm>> -> memref<80x128xf32, #tpu.memory_space<hbm>>
    %dma_wait3A_226 = arith.constant 0 : i32
    %dma_wait3A_227 = arith.constant 0 : i32
    %dma_wait3A_228 = tpu.memref_slice %arg11[%dma_wait3A_226, %dma_wait3A_227] : memref<320000x128xf32, #tpu.memory_space<hbm>> -> memref<80x128xf32, #tpu.memory_space<hbm>>
    %dma_wait3A_229 = arith.constant 0 : i32
    %dma_wait3A_230 = arith.constant 0 : i32
    %dma_wait3A_231 = tpu.memref_slice %arg20[%dma_wait3A_218, %dma_wait3A_229, %dma_wait3A_230] : memref<2x80x128xf32, #tpu.memory_space<vmem>> -> memref<1x80x128xf32, #tpu.memory_space<vmem>>
    %dma_wait3A_232 = tpu.memref_squeeze %dma_wait3A_231 : memref<1x80x128xf32, #tpu.memory_space<vmem>> -> memref<80x128xf32, #tpu.memory_space<vmem>>
    tpu.wait_dma2 semaphore(%arg26 : memref<!tpu.dma_semaphore, #tpu.memory_space<semaphore_mem>>) src(%dma_wait3A_232 : memref<80x128xf32, #tpu.memory_space<vmem>>) dst(%dma_wait3A_228 : memref<80x128xf32, #tpu.memory_space<hbm>>)
    %dma_wait3A_233 = arith.constant 0 : i32
    %dma_wait3A_234 = arith.constant 0 : i32
    %dma_wait3A_235 = arith.constant 0 : i32
    %dma_wait3A_236 = tpu.memref_slice %arg21[%dma_wait3A_233, %dma_wait3A_234, %dma_wait3A_235] : memref<2x80x128xf32, #tpu.memory_space<vmem>> -> memref<1x80x128xf32, #tpu.memory_space<vmem>>
    %dma_wait3A_237 = tpu.memref_squeeze %dma_wait3A_236 : memref<1x80x128xf32, #tpu.memory_space<vmem>> -> memref<80x128xf32, #tpu.memory_space<vmem>>
    %dma_wait3A_238 = arith.constant 0 : i32
    %dma_wait3A_239 = arith.constant 0 : i32
    %dma_wait3A_240 = tpu.memref_slice %arg11[%dma_wait3A_238, %dma_wait3A_239] : memref<320000x128xf32, #tpu.memory_space<hbm>> -> memref<80x128xf32, #tpu.memory_space<hbm>>
    %dma_wait3A_241 = arith.constant 0 : i32
    %dma_wait3A_242 = arith.constant 0 : i32
    %dma_wait3A_243 = tpu.memref_slice %arg11[%dma_wait3A_241, %dma_wait3A_242] : memref<320000x128xf32, #tpu.memory_space<hbm>> -> memref<80x128xf32, #tpu.memory_space<hbm>>
    %dma_wait3A_244 = arith.constant 0 : i32
    %dma_wait3A_245 = arith.constant 0 : i32
    %dma_wait3A_246 = tpu.memref_slice %arg21[%dma_wait3A_233, %dma_wait3A_244, %dma_wait3A_245] : memref<2x80x128xf32, #tpu.memory_space<vmem>> -> memref<1x80x128xf32, #tpu.memory_space<vmem>>
    %dma_wait3A_247 = tpu.memref_squeeze %dma_wait3A_246 : memref<1x80x128xf32, #tpu.memory_space<vmem>> -> memref<80x128xf32, #tpu.memory_space<vmem>>
    tpu.wait_dma2 semaphore(%arg26 : memref<!tpu.dma_semaphore, #tpu.memory_space<semaphore_mem>>) src(%dma_wait3A_247 : memref<80x128xf32, #tpu.memory_space<vmem>>) dst(%dma_wait3A_243 : memref<80x128xf32, #tpu.memory_space<hbm>>)
    %dma_wait3A_248 = arith.constant 0 : i32
    %dma_wait3A_249 = arith.constant 0 : i32
    %dma_wait3A_250 = arith.constant 0 : i32
    %dma_wait3A_251 = tpu.memref_slice %arg22[%dma_wait3A_248, %dma_wait3A_249, %dma_wait3A_250] : memref<2x80x128xf32, #tpu.memory_space<vmem>> -> memref<1x80x128xf32, #tpu.memory_space<vmem>>
    %dma_wait3A_252 = tpu.memref_squeeze %dma_wait3A_251 : memref<1x80x128xf32, #tpu.memory_space<vmem>> -> memref<80x128xf32, #tpu.memory_space<vmem>>
    %dma_wait3A_253 = arith.constant 0 : i32
    %dma_wait3A_254 = arith.constant 0 : i32
    %dma_wait3A_255 = tpu.memref_slice %arg11[%dma_wait3A_253, %dma_wait3A_254] : memref<320000x128xf32, #tpu.memory_space<hbm>> -> memref<80x128xf32, #tpu.memory_space<hbm>>
    %dma_wait3A_256 = arith.constant 0 : i32
    %dma_wait3A_257 = arith.constant 0 : i32
    %dma_wait3A_258 = tpu.memref_slice %arg11[%dma_wait3A_256, %dma_wait3A_257] : memref<320000x128xf32, #tpu.memory_space<hbm>> -> memref<80x128xf32, #tpu.memory_space<hbm>>
    %dma_wait3A_259 = arith.constant 0 : i32
    %dma_wait3A_260 = arith.constant 0 : i32
    %dma_wait3A_261 = tpu.memref_slice %arg22[%dma_wait3A_248, %dma_wait3A_259, %dma_wait3A_260] : memref<2x80x128xf32, #tpu.memory_space<vmem>> -> memref<1x80x128xf32, #tpu.memory_space<vmem>>
    %dma_wait3A_262 = tpu.memref_squeeze %dma_wait3A_261 : memref<1x80x128xf32, #tpu.memory_space<vmem>> -> memref<80x128xf32, #tpu.memory_space<vmem>>
    tpu.wait_dma2 semaphore(%arg26 : memref<!tpu.dma_semaphore, #tpu.memory_space<semaphore_mem>>) src(%dma_wait3A_262 : memref<80x128xf32, #tpu.memory_space<vmem>>) dst(%dma_wait3A_258 : memref<80x128xf32, #tpu.memory_space<hbm>>)
    %dma_wait3A_263 = arith.constant 0 : i32
    %dma_wait3A_264 = arith.constant 0 : i32
    %dma_wait3A_265 = arith.constant 0 : i32
    %dma_wait3A_266 = tpu.memref_slice %arg23[%dma_wait3A_263, %dma_wait3A_264, %dma_wait3A_265] : memref<2x80x128xf32, #tpu.memory_space<vmem>> -> memref<1x80x128xf32, #tpu.memory_space<vmem>>
    %dma_wait3A_267 = tpu.memref_squeeze %dma_wait3A_266 : memref<1x80x128xf32, #tpu.memory_space<vmem>> -> memref<80x128xf32, #tpu.memory_space<vmem>>
    %dma_wait3A_268 = arith.constant 0 : i32
    %dma_wait3A_269 = arith.constant 0 : i32
    %dma_wait3A_270 = tpu.memref_slice %arg11[%dma_wait3A_268, %dma_wait3A_269] : memref<320000x128xf32, #tpu.memory_space<hbm>> -> memref<80x128xf32, #tpu.memory_space<hbm>>
    %dma_wait3A_271 = arith.constant 0 : i32
    %dma_wait3A_272 = arith.constant 0 : i32
    %dma_wait3A_273 = tpu.memref_slice %arg11[%dma_wait3A_271, %dma_wait3A_272] : memref<320000x128xf32, #tpu.memory_space<hbm>> -> memref<80x128xf32, #tpu.memory_space<hbm>>
    %dma_wait3A_274 = arith.constant 0 : i32
    %dma_wait3A_275 = arith.constant 0 : i32
    %dma_wait3A_276 = tpu.memref_slice %arg23[%dma_wait3A_263, %dma_wait3A_274, %dma_wait3A_275] : memref<2x80x128xf32, #tpu.memory_space<vmem>> -> memref<1x80x128xf32, #tpu.memory_space<vmem>>
    %dma_wait3A_277 = tpu.memref_squeeze %dma_wait3A_276 : memref<1x80x128xf32, #tpu.memory_space<vmem>> -> memref<80x128xf32, #tpu.memory_space<vmem>>
    tpu.wait_dma2 semaphore(%arg26 : memref<!tpu.dma_semaphore, #tpu.memory_space<semaphore_mem>>) src(%dma_wait3A_277 : memref<80x128xf32, #tpu.memory_space<vmem>>) dst(%dma_wait3A_273 : memref<80x128xf32, #tpu.memory_space<hbm>>)
    return
  }
}

module attributes {stable_mosaic.version = 14 : i64} {
  func.func @_p1_body(%arg0: i32, %arg1: memref<2000x64xf32, #tpu.memory_space<vmem>>, %arg2: memref<64x128xf32, #tpu.memory_space<vmem>>, %arg3: memref<1x128xf32, #tpu.memory_space<vmem>>, %arg4: memref<2000x128xf32, #tpu.memory_space<vmem>>) attributes {dimension_semantics = [#tpu.dimension_semantics<arbitrary>], iteration_bounds = array<i64: 5>, scalar_prefetch = 0 : i64, scratch_operands = 0 : i64, tpu.core_type = #tpu.core_type<tc>, window_params = [{transform_indices = @transform_0, window_bounds = array<i64: 2000, 64>}, {pipeline_mode = #tpu.pipeline_mode<synchronous>, transform_indices = @transform_1, window_bounds = array<i64: 64, 128>}, {pipeline_mode = #tpu.pipeline_mode<synchronous>, transform_indices = @transform_2, window_bounds = array<i64: 1, 128>}, {transform_indices = @transform_3, window_bounds = array<i64: 2000, 128>}]} {
    %get3A = arith.constant 0 : index
    %get3A_0 = arith.constant 0 : index
    %get3A_1 = vector.load %arg1[%get3A, %get3A_0] : memref<2000x64xf32, #tpu.memory_space<vmem>>, vector<2000x64xf32>
    %get3A_2 = arith.constant 0 : index
    %get3A_3 = arith.constant 0 : index
    %get3A_4 = vector.load %arg2[%get3A_2, %get3A_3] : memref<64x128xf32, #tpu.memory_space<vmem>>, vector<64x128xf32>
    %dot_general3A = arith.constant dense<0.000000e+00> : vector<2000x128xf32>
    %dot_general3A_5 = tpu.matmul %get3A_1, %get3A_4, %dot_general3A {dimension_numbers = #tpu.dot_dimension_numbers<[1], [0], [0], [1], [0, 0, 1, 1], [], []>, transpose_lhs_hint = false} : vector<2000x64xf32>, vector<64x128xf32>, vector<2000x128xf32> -> vector<2000x128xf32>
    %get3A_6 = arith.constant 0 : index
    %get3A_7 = arith.constant 0 : index
    %get3A_8 = vector.load %arg3[%get3A_6, %get3A_7] : memref<1x128xf32, #tpu.memory_space<vmem>>, vector<1x128xf32>
    %add3A = vector.broadcast %get3A_8 : vector<1x128xf32> to vector<2000x128xf32>
    %add3A_9 = arith.addf %dot_general3A_5, %add3A : vector<2000x128xf32>
    %swap3A = arith.constant 0 : index
    %swap3A_10 = arith.constant 0 : index
    %swap3A_11 = vector.load %arg4[%swap3A, %swap3A_10] : memref<2000x128xf32, #tpu.memory_space<vmem>>, vector<2000x128xf32>
    tpu.vector_store %arg4[%swap3A, %swap3A_10], %add3A_9 {strides = array<i32>} : memref<2000x128xf32, #tpu.memory_space<vmem>>, vector<2000x128xf32>,
    return
  }
  func.func @transform_0(%arg0: i32) -> (i32, i32) {
    %c0_i32 = arith.constant 0 : i32
    %c0_i32_0 = arith.constant 0 : i32
    return %arg0, %c0_i32 : i32, i32
  }
  func.func @transform_1(%arg0: i32) -> (i32, i32) {
    %c0_i32 = arith.constant 0 : i32
    %c0_i32_0 = arith.constant 0 : i32
    %c0_i32_1 = arith.constant 0 : i32
    return %c0_i32, %c0_i32_0 : i32, i32
  }
  func.func @transform_2(%arg0: i32) -> (i32, i32) {
    %c0_i32 = arith.constant 0 : i32
    %c0_i32_0 = arith.constant 0 : i32
    %c0_i32_1 = arith.constant 0 : i32
    return %c0_i32, %c0_i32_0 : i32, i32
  }
  func.func @transform_3(%arg0: i32) -> (i32, i32) {
    %c0_i32 = arith.constant 0 : i32
    %c0_i32_0 = arith.constant 0 : i32
    return %arg0, %c0_i32 : i32, i32
  }
}

module attributes {stable_mosaic.version = 14 : i64} {
  func.func @_dense_body(%arg0: i32, %arg1: memref<1280x128xf32, #tpu.memory_space<vmem>>, %arg2: memref<1280x128xf32, #tpu.memory_space<vmem>>, %arg3: memref<1280x128xf32, #tpu.memory_space<vmem>>, %arg4: memref<1280x128xf32, #tpu.memory_space<vmem>>, %arg5: memref<128x128xf32, #tpu.memory_space<vmem>>, %arg6: memref<128x128xf32, #tpu.memory_space<vmem>>, %arg7: memref<1x128xf32, #tpu.memory_space<vmem>>, %arg8: memref<128x256xf32, #tpu.memory_space<vmem>>, %arg9: memref<128x256xf32, #tpu.memory_space<vmem>>, %arg10: memref<128x256xf32, #tpu.memory_space<vmem>>, %arg11: memref<1x256xf32, #tpu.memory_space<vmem>>, %arg12: memref<128x128xf32, #tpu.memory_space<vmem>>, %arg13: memref<128x128xf32, #tpu.memory_space<vmem>>, %arg14: memref<1x128xf32, #tpu.memory_space<vmem>>, %arg15: memref<128x64xf32, #tpu.memory_space<vmem>>, %arg16: memref<128x64xf32, #tpu.memory_space<vmem>>, %arg17: memref<128x64xf32, #tpu.memory_space<vmem>>, %arg18: memref<1x64xf32, #tpu.memory_space<vmem>>, %arg19: memref<1x64xf32, #tpu.memory_space<vmem>>, %arg20: memref<1280x128xf32, #tpu.memory_space<vmem>>) attributes {dimension_semantics = [#tpu.dimension_semantics<arbitrary>], iteration_bounds = array<i64: 250>, scalar_prefetch = 0 : i64, scratch_operands = 0 : i64, tpu.core_type = #tpu.core_type<tc>, window_params = [{transform_indices = @transform_0, window_bounds = array<i64: 1280, 128>}, {transform_indices = @transform_1, window_bounds = array<i64: 1280, 128>}, {transform_indices = @transform_2, window_bounds = array<i64: 1280, 128>}, {transform_indices = @transform_3, window_bounds = array<i64: 1280, 128>}, {pipeline_mode = #tpu.pipeline_mode<synchronous>, transform_indices = @transform_4, window_bounds = array<i64: 128, 128>}, {pipeline_mode = #tpu.pipeline_mode<synchronous>, transform_indices = @transform_5, window_bounds = array<i64: 128, 128>}, {pipeline_mode = #tpu.pipeline_mode<synchronous>, transform_indices = @transform_6, window_bounds = array<i64: 1, 128>}, {pipeline_mode = #tpu.pipeline_mode<synchronous>, transform_indices = @transform_7, window_bounds = array<i64: 128, 256>}, {pipeline_mode = #tpu.pipeline_mode<synchronous>, transform_indices = @transform_8, window_bounds = array<i64: 128, 256>}, {pipeline_mode = #tpu.pipeline_mode<synchronous>, transform_indices = @transform_9, window_bounds = array<i64: 128, 256>}, {pipeline_mode = #tpu.pipeline_mode<synchronous>, transform_indices = @transform_10, window_bounds = array<i64: 1, 256>}, {pipeline_mode = #tpu.pipeline_mode<synchronous>, transform_indices = @transform_11, window_bounds = array<i64: 128, 128>}, {pipeline_mode = #tpu.pipeline_mode<synchronous>, transform_indices = @transform_12, window_bounds = array<i64: 128, 128>}, {pipeline_mode = #tpu.pipeline_mode<synchronous>, transform_indices = @transform_13, window_bounds = array<i64: 1, 128>}, {pipeline_mode = #tpu.pipeline_mode<synchronous>, transform_indices = @transform_14, window_bounds = array<i64: 128, 64>}, {pipeline_mode = #tpu.pipeline_mode<synchronous>, transform_indices = @transform_15, window_bounds = array<i64: 128, 64>}, {pipeline_mode = #tpu.pipeline_mode<synchronous>, transform_indices = @transform_16, window_bounds = array<i64: 128, 64>}, {pipeline_mode = #tpu.pipeline_mode<synchronous>, transform_indices = @transform_17, window_bounds = array<i64: 1, 64>}, {pipeline_mode = #tpu.pipeline_mode<synchronous>, transform_indices = @transform_18, window_bounds = array<i64: 1, 64>}, {transform_indices = @transform_19, window_bounds = array<i64: 1280, 128>}]} {
    %get3A = arith.constant 0 : index
    %get3A_0 = arith.constant 0 : index
    %get3A_1 = vector.load %arg1[%get3A, %get3A_0] : memref<1280x128xf32, #tpu.memory_space<vmem>>, vector<1280x128xf32>
    %get3A_2 = arith.constant 0 : index
    %get3A_3 = arith.constant 0 : index
    %get3A_4 = vector.load %arg2[%get3A_2, %get3A_3] : memref<1280x128xf32, #tpu.memory_space<vmem>>, vector<1280x128xf32>
    %get3A_5 = arith.constant 0 : index
    %get3A_6 = arith.constant 0 : index
    %get3A_7 = vector.load %arg3[%get3A_5, %get3A_6] : memref<1280x128xf32, #tpu.memory_space<vmem>>, vector<1280x128xf32>
    %get3A_8 = arith.constant 0 : index
    %get3A_9 = arith.constant 0 : index
    %get3A_10 = vector.load %arg5[%get3A_8, %get3A_9] : memref<128x128xf32, #tpu.memory_space<vmem>>, vector<128x128xf32>
    %dot_general3A = arith.constant dense<0.000000e+00> : vector<1280x128xf32>
    %dot_general3A_11 = tpu.matmul %get3A_1, %get3A_10, %dot_general3A {dimension_numbers = #tpu.dot_dimension_numbers<[1], [0], [0], [1], [0, 0, 1, 1], [], []>, transpose_lhs_hint = false} : vector<1280x128xf32>, vector<128x128xf32>, vector<1280x128xf32> -> vector<1280x128xf32>
    %get3A_12 = arith.constant 0 : index
    %get3A_13 = arith.constant 0 : index
    %get3A_14 = vector.load %arg4[%get3A_12, %get3A_13] : memref<1280x128xf32, #tpu.memory_space<vmem>>, vector<1280x128xf32>
    %add3A = arith.addf %dot_general3A_11, %get3A_14 : vector<1280x128xf32>
    %ge3A = arith.constant 0.000000e+00 : f32
    %ge3A_15 = vector.broadcast %ge3A : f32 to vector<1280x128xf32>
    %ge3A_16 = arith.cmpf oge, %add3A, %ge3A_15 : vector<1280x128xf32>
    %mul3A = arith.constant 0.00999999977 : f32
    %mul3A_17 = vector.broadcast %mul3A : f32 to vector<1280x128xf32>
    %mul3A_18 = arith.mulf %mul3A_17, %add3A : vector<1280x128xf32>
    %select_n3A = arith.select %ge3A_16, %add3A, %mul3A_18 : vector<1280x128xi1>, vector<1280x128xf32>
    %get3A_19 = arith.constant 0 : index
    %get3A_20 = arith.constant 0 : index
    %get3A_21 = vector.load %arg6[%get3A_19, %get3A_20] : memref<128x128xf32, #tpu.memory_space<vmem>>, vector<128x128xf32>
    %dot_general3A_22 = arith.constant dense<0.000000e+00> : vector<1280x128xf32>
    %dot_general3A_23 = tpu.matmul %select_n3A, %get3A_21, %dot_general3A_22 {dimension_numbers = #tpu.dot_dimension_numbers<[1], [0], [0], [1], [0, 0, 1, 1], [], []>, transpose_lhs_hint = false} : vector<1280x128xf32>, vector<128x128xf32>, vector<1280x128xf32> -> vector<1280x128xf32>
    %get3A_24 = arith.constant 0 : index
    %get3A_25 = arith.constant 0 : index
    %get3A_26 = vector.load %arg7[%get3A_24, %get3A_25] : memref<1x128xf32, #tpu.memory_space<vmem>>, vector<1x128xf32>
    %add3A_27 = vector.broadcast %get3A_26 : vector<1x128xf32> to vector<1280x128xf32>
    %add3A_28 = arith.addf %dot_general3A_23, %add3A_27 : vector<1280x128xf32>
    %ge3A_29 = arith.constant 0.000000e+00 : f32
    %ge3A_30 = vector.broadcast %ge3A_29 : f32 to vector<1280x128xf32>
    %ge3A_31 = arith.cmpf oge, %add3A_28, %ge3A_30 : vector<1280x128xf32>
    %mul3A_32 = arith.constant 0.00999999977 : f32
    %mul3A_33 = vector.broadcast %mul3A_32 : f32 to vector<1280x128xf32>
    %mul3A_34 = arith.mulf %mul3A_33, %add3A_28 : vector<1280x128xf32>
    %select_n3A_35 = arith.select %ge3A_31, %add3A_28, %mul3A_34 : vector<1280x128xi1>, vector<1280x128xf32>
    %add3A_36 = arith.addf %select_n3A_35, %get3A_1 : vector<1280x128xf32>
    %get3A_37 = arith.constant 0 : index
    %get3A_38 = arith.constant 0 : index
    %get3A_39 = vector.load %arg8[%get3A_37, %get3A_38] : memref<128x256xf32, #tpu.memory_space<vmem>>, vector<128x256xf32>
    %dot_general3A_40 = arith.constant dense<0.000000e+00> : vector<1280x256xf32>
    %dot_general3A_41 = tpu.matmul %add3A_36, %get3A_39, %dot_general3A_40 {dimension_numbers = #tpu.dot_dimension_numbers<[1], [0], [0], [1], [0, 0, 1, 1], [], []>, transpose_lhs_hint = false} : vector<1280x128xf32>, vector<128x256xf32>, vector<1280x256xf32> -> vector<1280x256xf32>
    %get3A_42 = arith.constant 0 : index
    %get3A_43 = arith.constant 0 : index
    %get3A_44 = vector.load %arg9[%get3A_42, %get3A_43] : memref<128x256xf32, #tpu.memory_space<vmem>>, vector<128x256xf32>
    %dot_general3A_45 = arith.constant dense<0.000000e+00> : vector<1280x256xf32>
    %dot_general3A_46 = tpu.matmul %get3A_7, %get3A_44, %dot_general3A_45 {dimension_numbers = #tpu.dot_dimension_numbers<[1], [0], [0], [1], [0, 0, 1, 1], [], []>, transpose_lhs_hint = false} : vector<1280x128xf32>, vector<128x256xf32>, vector<1280x256xf32> -> vector<1280x256xf32>
    %add3A_47 = arith.addf %dot_general3A_41, %dot_general3A_46 : vector<1280x256xf32>
    %get3A_48 = arith.constant 0 : index
    %get3A_49 = arith.constant 0 : index
    %get3A_50 = vector.load %arg10[%get3A_48, %get3A_49] : memref<128x256xf32, #tpu.memory_space<vmem>>, vector<128x256xf32>
    %dot_general3A_51 = arith.constant dense<0.000000e+00> : vector<1280x256xf32>
    %dot_general3A_52 = tpu.matmul %get3A_4, %get3A_50, %dot_general3A_51 {dimension_numbers = #tpu.dot_dimension_numbers<[1], [0], [0], [1], [0, 0, 1, 1], [], []>, transpose_lhs_hint = false} : vector<1280x128xf32>, vector<128x256xf32>, vector<1280x256xf32> -> vector<1280x256xf32>
    %add3A_53 = arith.addf %add3A_47, %dot_general3A_52 : vector<1280x256xf32>
    %get3A_54 = arith.constant 0 : index
    %get3A_55 = arith.constant 0 : index
    %get3A_56 = vector.load %arg11[%get3A_54, %get3A_55] : memref<1x256xf32, #tpu.memory_space<vmem>>, vector<1x256xf32>
    %add3A_57 = vector.broadcast %get3A_56 : vector<1x256xf32> to vector<1280x256xf32>
    %add3A_58 = arith.addf %add3A_53, %add3A_57 : vector<1280x256xf32>
    %mul3A_59 = arith.constant 5.000000e-01 : f32
    %mul3A_60 = vector.broadcast %mul3A_59 : f32 to vector<1280x256xf32>
    %mul3A_61 = arith.mulf %mul3A_60, %add3A_58 : vector<1280x256xf32>
    %tanh3A = math.tanh %mul3A_61 : vector<1280x256xf32>
    %mul3A_62 = arith.constant 5.000000e-01 : f32
    %mul3A_63 = vector.broadcast %mul3A_62 : f32 to vector<1280x256xf32>
    %mul3A_64 = arith.mulf %mul3A_63, %tanh3A : vector<1280x256xf32>
    %add3A_65 = arith.constant 5.000000e-01 : f32
    %add3A_66 = vector.broadcast %add3A_65 : f32 to vector<1280x256xf32>
    %add3A_67 = arith.addf %mul3A_64, %add3A_66 : vector<1280x256xf32>
    %slice3A = vector.extract_strided_slice %add3A_67 {offsets = [0, 0], sizes = [1280, 128], strides = [1, 1]} : vector<1280x256xf32> to vector<1280x128xf32>
    %slice3A_68 = vector.extract_strided_slice %add3A_67 {offsets = [0, 128], sizes = [1280, 128], strides = [1, 1]} : vector<1280x256xf32> to vector<1280x128xf32>
    %get3A_69 = arith.constant 0 : index
    %get3A_70 = arith.constant 0 : index
    %get3A_71 = vector.load %arg12[%get3A_69, %get3A_70] : memref<128x128xf32, #tpu.memory_space<vmem>>, vector<128x128xf32>
    %dot_general3A_72 = arith.constant dense<0.000000e+00> : vector<1280x128xf32>
    %dot_general3A_73 = tpu.matmul %add3A_36, %get3A_71, %dot_general3A_72 {dimension_numbers = #tpu.dot_dimension_numbers<[1], [0], [0], [1], [0, 0, 1, 1], [], []>, transpose_lhs_hint = false} : vector<1280x128xf32>, vector<128x128xf32>, vector<1280x128xf32> -> vector<1280x128xf32>
    %mul3A_74 = arith.mulf %slice3A_68, %get3A_4 : vector<1280x128xf32>
    %get3A_75 = arith.constant 0 : index
    %get3A_76 = arith.constant 0 : index
    %get3A_77 = vector.load %arg13[%get3A_75, %get3A_76] : memref<128x128xf32, #tpu.memory_space<vmem>>, vector<128x128xf32>
    %dot_general3A_78 = arith.constant dense<0.000000e+00> : vector<1280x128xf32>
    %dot_general3A_79 = tpu.matmul %mul3A_74, %get3A_77, %dot_general3A_78 {dimension_numbers = #tpu.dot_dimension_numbers<[1], [0], [0], [1], [0, 0, 1, 1], [], []>, transpose_lhs_hint = false} : vector<1280x128xf32>, vector<128x128xf32>, vector<1280x128xf32> -> vector<1280x128xf32>
    %add3A_80 = arith.addf %dot_general3A_73, %dot_general3A_79 : vector<1280x128xf32>
    %get3A_81 = arith.constant 0 : index
    %get3A_82 = arith.constant 0 : index
    %get3A_83 = vector.load %arg14[%get3A_81, %get3A_82] : memref<1x128xf32, #tpu.memory_space<vmem>>, vector<1x128xf32>
    %add3A_84 = vector.broadcast %get3A_83 : vector<1x128xf32> to vector<1280x128xf32>
    %add3A_85 = arith.addf %add3A_80, %add3A_84 : vector<1280x128xf32>
    %tanh3A_86 = math.tanh %add3A_85 : vector<1280x128xf32>
    %sub3A = arith.constant 1.000000e+00 : f32
    %sub3A_87 = vector.broadcast %sub3A : f32 to vector<1280x128xf32>
    %sub3A_88 = arith.subf %sub3A_87, %slice3A : vector<1280x128xf32>
    %mul3A_89 = arith.mulf %sub3A_88, %get3A_4 : vector<1280x128xf32>
    %mul3A_90 = arith.mulf %slice3A, %tanh3A_86 : vector<1280x128xf32>
    %add3A_91 = arith.addf %mul3A_89, %mul3A_90 : vector<1280x128xf32>
    %get3A_92 = arith.constant 0 : index
    %get3A_93 = arith.constant 0 : index
    %get3A_94 = vector.load %arg15[%get3A_92, %get3A_93] : memref<128x64xf32, #tpu.memory_space<vmem>>, vector<128x64xf32>
    %dot_general3A_95 = arith.constant dense<0.000000e+00> : vector<1280x64xf32>
    %dot_general3A_96 = tpu.matmul %get3A_4, %get3A_94, %dot_general3A_95 {dimension_numbers = #tpu.dot_dimension_numbers<[1], [0], [0], [1], [0, 0, 1, 1], [], []>, transpose_lhs_hint = false} : vector<1280x128xf32>, vector<128x64xf32>, vector<1280x64xf32> -> vector<1280x64xf32>
    %get3A_97 = arith.constant 0 : index
    %get3A_98 = arith.constant 0 : index
    %get3A_99 = vector.load %arg16[%get3A_97, %get3A_98] : memref<128x64xf32, #tpu.memory_space<vmem>>, vector<128x64xf32>
    %dot_general3A_100 = arith.constant dense<0.000000e+00> : vector<1280x64xf32>
    %dot_general3A_101 = tpu.matmul %add3A_36, %get3A_99, %dot_general3A_100 {dimension_numbers = #tpu.dot_dimension_numbers<[1], [0], [0], [1], [0, 0, 1, 1], [], []>, transpose_lhs_hint = false} : vector<1280x128xf32>, vector<128x64xf32>, vector<1280x64xf32> -> vector<1280x64xf32>
    %add3A_102 = arith.addf %dot_general3A_96, %dot_general3A_101 : vector<1280x64xf32>
    %get3A_103 = arith.constant 0 : index
    %get3A_104 = arith.constant 0 : index
    %get3A_105 = vector.load %arg17[%get3A_103, %get3A_104] : memref<128x64xf32, #tpu.memory_space<vmem>>, vector<128x64xf32>
    %dot_general3A_106 = arith.constant dense<0.000000e+00> : vector<1280x64xf32>
    %dot_general3A_107 = tpu.matmul %get3A_7, %get3A_105, %dot_general3A_106 {dimension_numbers = #tpu.dot_dimension_numbers<[1], [0], [0], [1], [0, 0, 1, 1], [], []>, transpose_lhs_hint = false} : vector<1280x128xf32>, vector<128x64xf32>, vector<1280x64xf32> -> vector<1280x64xf32>
    %add3A_108 = arith.addf %add3A_102, %dot_general3A_107 : vector<1280x64xf32>
    %get3A_109 = arith.constant 0 : index
    %get3A_110 = arith.constant 0 : index
    %get3A_111 = vector.load %arg18[%get3A_109, %get3A_110] : memref<1x64xf32, #tpu.memory_space<vmem>>, vector<1x64xf32>
    %add3A_112 = vector.broadcast %get3A_111 : vector<1x64xf32> to vector<1280x64xf32>
    %add3A_113 = arith.addf %add3A_108, %add3A_112 : vector<1280x64xf32>
    %ge3A_114 = arith.constant 0.000000e+00 : f32
    %ge3A_115 = vector.broadcast %ge3A_114 : f32 to vector<1280x64xf32>
    %ge3A_116 = arith.cmpf oge, %add3A_113, %ge3A_115 : vector<1280x64xf32>
    %mul3A_117 = arith.constant 0.00999999977 : f32
    %mul3A_118 = vector.broadcast %mul3A_117 : f32 to vector<1280x64xf32>
    %mul3A_119 = arith.mulf %mul3A_118, %add3A_113 : vector<1280x64xf32>
    %select_n3A_120 = arith.select %ge3A_116, %add3A_113, %mul3A_119 : vector<1280x64xi1>, vector<1280x64xf32>
    %get3A_121 = arith.constant 0 : index
    %get3A_122 = arith.constant 0 : index
    %get3A_123 = vector.load %arg19[%get3A_121, %get3A_122] : memref<1x64xf32, #tpu.memory_space<vmem>>, vector<1x64xf32>
    %mul3A_124 = vector.broadcast %get3A_123 : vector<1x64xf32> to vector<1280x64xf32>
    %mul3A_125 = arith.mulf %select_n3A_120, %mul3A_124 : vector<1280x64xf32>
    %reduce_sum3A = arith.constant dense<0.000000e+00> : vector<1280xf32>
    %reduce_sum3A_126 = vector.multi_reduction <add>, %mul3A_125, %reduce_sum3A [1] : vector<1280x64xf32> to vector<1280xf32>
    %broadcast_in_dim3A = vector.shape_cast %reduce_sum3A_126 : vector<1280xf32> to vector<1280x1xf32>
    %mul3A_127 = arith.constant 5.000000e-01 : f32
    %mul3A_128 = vector.broadcast %mul3A_127 : f32 to vector<1280x1xf32>
    %mul3A_129 = arith.mulf %mul3A_128, %broadcast_in_dim3A : vector<1280x1xf32>
    %tanh3A_130 = math.tanh %mul3A_129 : vector<1280x1xf32>
    %mul3A_131 = arith.constant 5.000000e-01 : f32
    %mul3A_132 = vector.broadcast %mul3A_131 : f32 to vector<1280x1xf32>
    %mul3A_133 = arith.mulf %mul3A_132, %tanh3A_130 : vector<1280x1xf32>
    %add3A_134 = arith.constant 5.000000e-01 : f32
    %add3A_135 = vector.broadcast %add3A_134 : f32 to vector<1280x1xf32>
    %add3A_136 = arith.addf %mul3A_133, %add3A_135 : vector<1280x1xf32>
    %mul3A_137 = vector.broadcast %add3A_136 : vector<1280x1xf32> to vector<1280x128xf32>
    %mul3A_138 = arith.mulf %mul3A_137, %add3A_91 : vector<1280x128xf32>
    %swap3A = arith.constant 0 : index
    %swap3A_139 = arith.constant 0 : index
    %swap3A_140 = vector.load %arg20[%swap3A, %swap3A_139] : memref<1280x128xf32, #tpu.memory_space<vmem>>, vector<1280x128xf32>
    tpu.vector_store %arg20[%swap3A, %swap3A_139], %mul3A_138 {strides = array<i32>} : memref<1280x128xf32, #tpu.memory_space<vmem>>, vector<1280x128xf32>,
    return
  }
  func.func @transform_0(%arg0: i32) -> (i32, i32) {
    %c0_i32 = arith.constant 0 : i32
    %c0_i32_0 = arith.constant 0 : i32
    return %arg0, %c0_i32 : i32, i32
  }
  func.func @transform_1(%arg0: i32) -> (i32, i32) {
    %c0_i32 = arith.constant 0 : i32
    %c0_i32_0 = arith.constant 0 : i32
    return %arg0, %c0_i32 : i32, i32
  }
  func.func @transform_2(%arg0: i32) -> (i32, i32) {
    %c0_i32 = arith.constant 0 : i32
    %c0_i32_0 = arith.constant 0 : i32
    return %arg0, %c0_i32 : i32, i32
  }
  func.func @transform_3(%arg0: i32) -> (i32, i32) {
    %c0_i32 = arith.constant 0 : i32
    %c0_i32_0 = arith.constant 0 : i32
    return %arg0, %c0_i32 : i32, i32
  }
  func.func @transform_4(%arg0: i32) -> (i32, i32) {
    %c0_i32 = arith.constant 0 : i32
    %c0_i32_0 = arith.constant 0 : i32
    %c0_i32_1 = arith.constant 0 : i32
    return %c0_i32, %c0_i32_0 : i32, i32
  }
  func.func @transform_5(%arg0: i32) -> (i32, i32) {
    %c0_i32 = arith.constant 0 : i32
    %c0_i32_0 = arith.constant 0 : i32
    %c0_i32_1 = arith.constant 0 : i32
    return %c0_i32, %c0_i32_0 : i32, i32
  }
  func.func @transform_6(%arg0: i32) -> (i32, i32) {
    %c0_i32 = arith.constant 0 : i32
    %c0_i32_0 = arith.constant 0 : i32
    %c0_i32_1 = arith.constant 0 : i32
    return %c0_i32, %c0_i32_0 : i32, i32
  }
  func.func @transform_7(%arg0: i32) -> (i32, i32) {
    %c0_i32 = arith.constant 0 : i32
    %c0_i32_0 = arith.constant 0 : i32
    %c0_i32_1 = arith.constant 0 : i32
    return %c0_i32, %c0_i32_0 : i32, i32
  }
  func.func @transform_8(%arg0: i32) -> (i32, i32) {
    %c0_i32 = arith.constant 0 : i32
    %c0_i32_0 = arith.constant 0 : i32
    %c0_i32_1 = arith.constant 0 : i32
    return %c0_i32, %c0_i32_0 : i32, i32
  }
  func.func @transform_9(%arg0: i32) -> (i32, i32) {
    %c0_i32 = arith.constant 0 : i32
    %c0_i32_0 = arith.constant 0 : i32
    %c0_i32_1 = arith.constant 0 : i32
    return %c0_i32, %c0_i32_0 : i32, i32
  }
  func.func @transform_10(%arg0: i32) -> (i32, i32) {
    %c0_i32 = arith.constant 0 : i32
    %c0_i32_0 = arith.constant 0 : i32
    %c0_i32_1 = arith.constant 0 : i32
    return %c0_i32, %c0_i32_0 : i32, i32
  }
  func.func @transform_11(%arg0: i32) -> (i32, i32) {
    %c0_i32 = arith.constant 0 : i32
    %c0_i32_0 = arith.constant 0 : i32
    %c0_i32_1 = arith.constant 0 : i32
    return %c0_i32, %c0_i32_0 : i32, i32
  }
  func.func @transform_12(%arg0: i32) -> (i32, i32) {
    %c0_i32 = arith.constant 0 : i32
    %c0_i32_0 = arith.constant 0 : i32
    %c0_i32_1 = arith.constant 0 : i32
    return %c0_i32, %c0_i32_0 : i32, i32
  }
  func.func @transform_13(%arg0: i32) -> (i32, i32) {
    %c0_i32 = arith.constant 0 : i32
    %c0_i32_0 = arith.constant 0 : i32
    %c0_i32_1 = arith.constant 0 : i32
    return %c0_i32, %c0_i32_0 : i32, i32
  }
  func.func @transform_14(%arg0: i32) -> (i32, i32) {
    %c0_i32 = arith.constant 0 : i32
    %c0_i32_0 = arith.constant 0 : i32
    %c0_i32_1 = arith.constant 0 : i32
    return %c0_i32, %c0_i32_0 : i32, i32
  }
  func.func @transform_15(%arg0: i32) -> (i32, i32) {
    %c0_i32 = arith.constant 0 : i32
    %c0_i32_0 = arith.constant 0 : i32
    %c0_i32_1 = arith.constant 0 : i32
    return %c0_i32, %c0_i32_0 : i32, i32
  }
  func.func @transform_16(%arg0: i32) -> (i32, i32) {
    %c0_i32 = arith.constant 0 : i32
    %c0_i32_0 = arith.constant 0 : i32
    %c0_i32_1 = arith.constant 0 : i32
    return %c0_i32, %c0_i32_0 : i32, i32
  }
  func.func @transform_17(%arg0: i32) -> (i32, i32) {
    %c0_i32 = arith.constant 0 : i32
    %c0_i32_0 = arith.constant 0 : i32
    %c0_i32_1 = arith.constant 0 : i32
    return %c0_i32, %c0_i32_0 : i32, i32
  }
  func.func @transform_18(%arg0: i32) -> (i32, i32) {
    %c0_i32 = arith.constant 0 : i32
    %c0_i32_0 = arith.constant 0 : i32
    %c0_i32_1 = arith.constant 0 : i32
    return %c0_i32, %c0_i32_0 : i32, i32
  }
  func.func @transform_19(%arg0: i32) -> (i32, i32) {
    %c0_i32 = arith.constant 0 : i32
    %c0_i32_0 = arith.constant 0 : i32
    return %arg0, %c0_i32 : i32, i32
  }
}

module attributes {stable_mosaic.version = 14 : i64} {
  func.func @_final_body(%arg0: i32, %arg1: memref<2x1280x128xf32, #tpu.memory_space<vmem>>, %arg2: memref<128x128xf32, #tpu.memory_space<vmem>>, %arg3: memref<1280x128xf32, #tpu.memory_space<vmem>>) attributes {dimension_semantics = [#tpu.dimension_semantics<arbitrary>], iteration_bounds = array<i64: 8>, scalar_prefetch = 0 : i64, scratch_operands = 0 : i64, tpu.core_type = #tpu.core_type<tc>, window_params = [{transform_indices = @transform_0, window_bounds = array<i64: 2, 1280, 128>}, {pipeline_mode = #tpu.pipeline_mode<synchronous>, transform_indices = @transform_1, window_bounds = array<i64: 128, 128>}, {transform_indices = @transform_2, window_bounds = array<i64: 1280, 128>}]} {
    %get3A = arith.constant 0 : index
    %get3A_0 = arith.constant 0 : index
    %get3A_1 = arith.constant 0 : index
    %get3A_2 = vector.load %arg1[%get3A, %get3A_0, %get3A_1] : memref<2x1280x128xf32, #tpu.memory_space<vmem>>, vector<1x1280x128xf32>
    %get3A_3 = vector.shape_cast %get3A_2 : vector<1x1280x128xf32> to vector<1280x128xf32>
    %get3A_4 = arith.constant 1 : index
    %get3A_5 = arith.constant 0 : index
    %get3A_6 = arith.constant 0 : index
    %get3A_7 = vector.load %arg1[%get3A_4, %get3A_5, %get3A_6] : memref<2x1280x128xf32, #tpu.memory_space<vmem>>, vector<1x1280x128xf32>
    %get3A_8 = vector.shape_cast %get3A_7 : vector<1x1280x128xf32> to vector<1280x128xf32>
    %add3A = arith.addf %get3A_3, %get3A_8 : vector<1280x128xf32>
    %get3A_9 = arith.constant 0 : index
    %get3A_10 = arith.constant 0 : index
    %get3A_11 = vector.load %arg2[%get3A_9, %get3A_10] : memref<128x128xf32, #tpu.memory_space<vmem>>, vector<128x128xf32>
    %dot_general3A = arith.constant dense<0.000000e+00> : vector<1280x128xf32>
    %dot_general3A_12 = tpu.matmul %add3A, %get3A_11, %dot_general3A {dimension_numbers = #tpu.dot_dimension_numbers<[1], [0], [0], [1], [0, 0, 1, 1], [], []>, transpose_lhs_hint = false} : vector<1280x128xf32>, vector<128x128xf32>, vector<1280x128xf32> -> vector<1280x128xf32>
    %swap3A = arith.constant 0 : index
    %swap3A_13 = arith.constant 0 : index
    %swap3A_14 = vector.load %arg3[%swap3A, %swap3A_13] : memref<1280x128xf32, #tpu.memory_space<vmem>>, vector<1280x128xf32>
    tpu.vector_store %arg3[%swap3A, %swap3A_13], %dot_general3A_12 {strides = array<i32>} : memref<1280x128xf32, #tpu.memory_space<vmem>>, vector<1280x128xf32>,
    return
  }
  func.func @transform_0(%arg0: i32) -> (i32, i32, i32) {
    %c0_i32 = arith.constant 0 : i32
    %c0_i32_0 = arith.constant 0 : i32
    %c0_i32_1 = arith.constant 0 : i32
    return %c0_i32, %arg0, %c0_i32_0 : i32, i32, i32
  }
  func.func @transform_1(%arg0: i32) -> (i32, i32) {
    %c0_i32 = arith.constant 0 : i32
    %c0_i32_0 = arith.constant 0 : i32
    %c0_i32_1 = arith.constant 0 : i32
    return %c0_i32, %c0_i32_0 : i32, i32
  }
  func.func @transform_2(%arg0: i32) -> (i32, i32) {
    %c0_i32 = arith.constant 0 : i32
    %c0_i32_0 = arith.constant 0 : i32
    return %arg0, %c0_i32 : i32, i32
  }
}

</mosaic_0001>

<sc_bundles>
// kernel: gather_offload_async_start
scs
__scs_entry_jumppad:
0x0: {  	(pc) =	sbr.rel $0x88, $3  }
0x1: {  	(tag) =	ssettag $0x0;
	lr =	simm.s32 $0x1  }
0x2: {  	[smem:$0x3F8B] =	sst lr;
	_ =	strace $0xD0000000  }
0x3: {  	_ = 	snop  }
0x4: {  	_ = 	snop  }
0x5: {  	_ = 	snop  }
0x6: {  	_ = 	snop  }
0x7: {  	_ = 	snop  }
__scs_overlays_trampoline_lowered:
0x8: {  	[smem:$0x3F9A] =	sst s0  }
0x9: {  	[smem:$0x3F9B] =	sst s1  }
0xa: {  	[smem:$0x3F9C] =	sst s2  }
0xb: {  	[smem:$0x3F9D] =	sst s3  }
0xc: {  	[smem:$0x3F9E] =	sst s4  }
0xd: {  	[smem:$0x3F9F] =	sst s5  }
0xe: {  	[smem:$0x3FA0] =	sst s6  }
0xf: {  	[smem:$0x3FA1] =	sst s7  }
0x10: {  	[smem:$0x3FA2] =	sst s8  }
0x11: {  	[smem:$0x3FA3] =	sst s9;
	s0 =	simm.s32 @!p0 $0x0  }
0x12: {  	s1 =	sld [smem:$0x3F89];
	s0 =	simm.s32 @p0 $0x1  }
0x13: {  	[smem:$0x3FA4] =	sst s0;
	s0 =	simm.s32 @!p1 $0x0  }
0x14: {  	s2 =	sld [smem:$0x3F88];
	s0 =	simm.s32 @p1 $0x1  }
0x15: {  	[smem:$0x3FA5] =	sst s0;
	s0 =	simm.s32 @!p2 $0x0  }
0x16: {  	s3 =	sld [smem:$0x3FDB];
	s0 =	simm.s32 @p2 $0x1  }
0x17: {  	s4 =	simm.s32 $0x1BF5;
	[smem:$0x3FA7] =	sst s0  }
0x18: {  	s0 =	sld [smem:$0x3F8A];
	_ =	swait.ge [sflag:s4], $0x0  }
0x19: {  	s7 =	sld [smem:$0x3F8B]  }
0x1a: {  	s8 =	sadd.s32 $0xFFFFE003, lr  }
0x1b: {  	s9 =	sadd.s32 $0xFFFFFEF7, lr;
	s5 =	simm.s32 $0xFFFFFFFF;
	p2 =	slt.u32 s8, $0xFFFFF086  }
0x1c: {  	p1 =	slt.u32 s9, $0xF7A;
	s5 =	simm.s32 @!p2 $0x0  }
0x1d: {  	s5 =	simm.s32 @p1 $0x1;
	p0 =	seq.s32 s7, s2  }
0x1e: {  	s7 =	smul.u32 @!p0 $0xF7A, s2;
	p2 =	seq.s32 @!p0 s5, $0x0  }
0x1f: {  	s9 =	smul.u32 $0xF7A, s1;
	s8 =	simm.s32 @!p0 $0x1BF5;
	p2 =	por !p2, p0  }
0x20: {  	[sflag:s8] =	ssyncset.s32 @!p0 $0xFFFFF086;
	s6 =	sadd.s32 @!p0 s3, s7;
	s7 =	simm.s32 @!p0 $0x108  }
0x21: {  	s3 =	sadd.s32 s3, s9;
	s6 =	sadd.s32 @!p0 $0x88, s6;
	s7 =	simm.s32 @p2 $0x1082  }
0x22: {  	[simem:s7], [sflag:s8] =	dma.local @!p0 [hbm:s6], $0xF7A  }
0x23: {  	s9 =	sor.u32 $0xD0000000, s2;
	s6 =	simm.s32 $0x108;
	_ =	swait.ge @!p0 [sflag:s8], $0x0  }
0x24: {  	s3 =	sadd.s32 $0x88, s3;
	s6 =	simm.s32 @!p1 $0x1082;
	[sflag:s4] =	ssyncset.s32 $0xFFFFF086  }
0x25: {  	[simem:s6], [sflag:s4] =	dma.local [hbm:s3], $0xF7A  }
0x26: {  	[smem:$0x3F8B] =	sst s1;
	(tag) =	ssettag s2;
	_ =	strace s9  }
0x27: {  	s1 =	sld [smem:$0x3F9B]  }
0x28: {  	s2 =	sld [smem:$0x3F9C]  }
0x29: {  	s4 =	sld [smem:$0x3F9E]  }
0x2a: {  	p0 =	seq.s32 s5, $0x0;
	s5 =	sld [smem:$0x3F9F]  }
0x2b: {  	s6 =	sld [smem:$0x3FA0]  }
0x2c: {  	s7 =	sld [smem:$0x3FA1]  }
0x2d: {  	s3 =	simm.s32 $0x108;
	s8 =	sld [smem:$0x3FA2]  }
0x2e: {  	s3 =	simm.s32 @!p0 $0x1082;
	s9 =	sld [smem:$0x3FA3]  }
0x2f: {  	lr =	sadd.s32 s0, s3;
	s0 =	sld [smem:$0x3F9A]  }
0x30: {  	s3 =	sld [smem:$0x3F9D]  }
0x31: {  	[smem:$0x3FA6] =	sst s10  }
0x32: {  	s10 =	sld [smem:$0x3FA4];
	_ =	sdelay $0x3  }
0x33: {  	p0 =	seq.s32 s10, $0x1;
	s10 =	sld [smem:$0x3FA6];
	_ =	sdelay $0x3  }
0x34: {  	[smem:$0x3FA6] =	sst s10  }
0x35: {  	s10 =	sld [smem:$0x3FA5];
	_ =	sdelay $0x3  }
0x36: {  	p1 =	seq.s32 s10, $0x1;
	s10 =	sld [smem:$0x3FA6];
	_ =	sdelay $0x3  }
0x37: {  	[smem:$0x3FA6] =	sst s10  }
0x38: {  	s10 =	sld [smem:$0x3FA7]  }
0x39: {  	_ = 	snop;
	(pc) =	sbr.ind lr, $3  }
0x3a: {  	_ = 	snop  }
0x3b: {  	_ = 	snop  }
0x3c: {  	p2 =	seq.s32 s10, $0x1;
	s10 =	sld [smem:$0x3FA6]  }
0x3d: {  	_ =	shalt  }
0x3e: {  	_ =	shalt  }
0x3f: {  	_ =	shalt  }
0x40: {  	_ =	shalt  }
0x41: {  	_ =	shalt  }
0x42: {  	_ =	shalt  }
0x43: {  	_ =	shalt  }
0x44: {  	_ =	shalt  }
0x45: {  	_ =	shalt  }
0x46: {  	_ =	shalt  }
0x47: {  	_ =	shalt  }
0x48: {  	_ =	shalt  }
0x49: {  	_ =	shalt  }
0x4a: {  	_ =	shalt  }
0x4b: {  	_ =	shalt  }
0x4c: {  	_ =	shalt  }
0x4d: {  	_ =	shalt  }
0x4e: {  	_ =	shalt  }
0x4f: {  	_ =	shalt  }
0x50: {  	_ =	shalt  }
0x51: {  	_ =	shalt  }
0x52: {  	_ =	shalt  }
0x53: {  	_ =	shalt  }
0x54: {  	_ =	shalt  }
0x55: {  	_ =	shalt  }
0x56: {  	_ =	shalt  }
0x57: {  	_ =	shalt  }
0x58: {  	_ =	shalt  }
0x59: {  	_ =	shalt  }
0x5a: {  	_ =	shalt  }
0x5b: {  	_ =	shalt  }
0x5c: {  	_ =	shalt  }
0x5d: {  	_ =	shalt  }
0x5e: {  	_ =	shalt  }
0x5f: {  	_ =	shalt  }
0x60: {  	_ =	shalt  }
0x61: {  	_ =	shalt  }
0x62: {  	_ =	shalt  }
0x63: {  	_ =	shalt  }
0x64: {  	_ =	shalt  }
0x65: {  	_ =	shalt  }
0x66: {  	_ =	shalt  }
0x67: {  	_ =	shalt  }
0x68: {  	_ =	shalt  }
0x69: {  	_ =	shalt  }
0x6a: {  	_ =	shalt  }
0x6b: {  	_ =	shalt  }
0x6c: {  	_ =	shalt  }
0x6d: {  	_ =	shalt  }
0x6e: {  	_ =	shalt  }
0x6f: {  	_ =	shalt  }
0x70: {  	_ =	shalt  }
0x71: {  	_ =	shalt  }
0x72: {  	_ =	shalt  }
0x73: {  	_ =	shalt  }
0x74: {  	_ =	shalt  }
0x75: {  	_ =	shalt  }
0x76: {  	_ =	shalt  }
0x77: {  	_ =	shalt  }
0x78: {  	_ =	shalt  }
0x79: {  	_ =	shalt  }
0x7a: {  	_ =	shalt  }
0x7b: {  	_ =	shalt  }
0x7c: {  	_ =	shalt  }
0x7d: {  	_ =	shalt  }
0x7e: {  	_ =	shalt  }
0x7f: {  	_ =	shalt  }
0x80: {  	_ =	shalt  }
0x81: {  	_ =	shalt  }
0x82: {  	_ =	shalt  }
0x83: {  	_ =	shalt  }
0x84: {  	_ =	shalt  }
0x85: {  	_ =	shalt  }
0x86: {  	_ =	shalt  }
0x87: {  	_ =	shalt  }
.Lfunc_end0:
.L_simem_size_0:
called_computation_lowered:
.L_overlay_start_0:
0x88: {  	s0 =	sld [smem:$0x3FD9]  }
0x89: {  	s1 =	sld [smem:$0x3FFE];
	_ =	sdelay $0x3  }
0x8a: {  	s0 =	sadd.s32 s1, s0  }
0x8b: {  	[smem:$0x3FB2] =	sst s0  }
0x8c: {  	_ = 	snop  }
0x8d: {  	s0 =	sld [smem:$0x3FD0];
	(tm) =	ssettm $0x1  }
0x8e: {  	s16 =	sld [smem:$0x3FFB];
	_ =	sdelay $0x3  }
0x8f: {  	_ =	strace s16  }
0x90: {  	s1 =	sld [smem:$0x3FFC];
	_ =	sdelay $0x3  }
0x91: {  	_ =	strace s1  }
0x92: {  	s1 =	sld [smem:$0x3FFD];
	_ =	sdelay $0x3  }
0x93: {  	_ =	strace s1  }
0x94: {  	_ =	strace $0x8FFFFFFF  }
0x95: {  	s17 =	sld [smem:$0x3FDB];
	_ =	sdelay $0x1  }
0x96: {  	s2 =	simm.s32 $_scs_section_size  }
0x97: {  	s3 =	simm.s32 $_size__tile_overlayer_lowered;
	s4 =	simm.s32 $_tile_overlayer_lowered  }
0x98: {  	s20 =	simm.s32 $0x1BFF;
	s19 =	sshll.u32 s4, $0x1;
	s1 =	sadd.s32 s2, s17  }
0x99: {  	s5 =	simm.s32 $0x0;
	s18 =	sshll.u32 s3, $0x1;
	s3 =	sadd.s32 s19, s1  }
0x9a: {  	[timem:s5], [sflag:s20] =	dma.local [hbm:s3], s18  }
0x9b: {  	_ =	swait.ge [sflag:s20], s18  }
0x9c: {  	s2 =	ssub.s32 $0x0, s18;
	[sflag:s20] =	ssyncset.done $0x0  }
0x9d: {  	[sflag:s20] =	ssyncadd.s32 s2;
	_ =	sdelay $0x1  }
0x9e: {  	s21 =	simm.s32 $0x1B8B  }
0x9f: {  	_ =	swait.ge [sflag:s21], $0x1  }
0xa0: {  	[sflag:s21] =	ssyncset.done $0x0  }
0xa1: {  	s23 =	simm.s32 $0x1B8E;
	s22 =	sld [smem:$0x3FFE];
	[sflag:s21] =	ssyncadd.s32 $0xFFFFFFFF  }
0xa2: {  	s24 =	simm.s32 $execute0_lowered;
	[smem:$0x3FD2] =	sst s23  }
0xa3: {  	s3 =	sshll.u32 s24, $0x1;
	_ =	strace $0x80000046;
	[dreg:$0x1] =	wrdreg $0xFFFFFFFF  }
0xa4: {  	s25 =	simm.s32 $_size_execute0_lowered;
	s1 =	sadd.s32 s1, s3;
	[dreg:$0x0] =	wrdreg $0x0  }
0xa5: {  	s3 =	sshll.u32 s25, $0x1;
	[dreg:$0x2] =	wrdreg s1  }
0xa6: {  	[dreg:$0x3] =	wrdreg s3  }
0xa7: {  	[dreg:$0x4] =	wrdreg $0xC0  }
0xa8: {  	_ =	task [dreg:s5], $0x5FFFF  }
0xa9: {  	[dreg:$0x1] =	wrdreg $0xFFFFFFFF  }
0xaa: {  	[dreg:$0x0] =	wrdreg $0x60  }
0xab: {  	[dreg:$0x2] =	wrdreg s0  }
0xac: {  	[dreg:$0x3] =	wrdreg s22  }
0xad: {  	[dreg:$0x4] =	wrdreg $0x9  }
0xae: {  	_ =	task.clear_ibuf [dreg:s5], $0x5FFFF;
	_ =	strace $0x90000046  }
0xaf: {  	s26 =	simm.s32 $0x9;
	_ =	strace $0x80000048  }
0xb0: {  	_ =	swait.ge [sflag:s26], $0x1  }
0xb1: {  	[sflag:s26] =	ssyncadd.s32 $0xFFFFFFFF  }
0xb2: {  	_ =	strace $0x90000048  }
0xb3: {  	_ =	sfence  }
0xb4: {  	s28 =	sld [smem:$0x0];
	_ =	sdelay $0x1  }
0xb5: {  	s29 =	srdreg.scid  }
0xb6: {  	s30 =	sshll.u32 s29, $0xD;
	s31 =	sshrl.u32 s29, $0x2  }
0xb7: {  	s2 =	sand.u32 $0x4000, s30;
	s1 =	sand.u32 $0x1, s29;
	s0 =	sadd.s32 s31, s28  }
0xb8: {  	s1 =	sor.u32 s2, s1;
	s0 =	sshll.u32 s0, $0x11  }
0xb9: {  	s0 =	sor.u32 s0, s1  }
0xba: {  	s0 =	sadd.s32 $0x8F2B, s0  }
0xbb: {  	[sflag:s0] =	ssyncadd.remote.s32 $0x1  }
0xbc: {  	_ =	sfence.sel $0xFFFF  }
0xbd: {  	[dreg:$0x0] =	wrdreg $0xFFFFFFFF;
	(pc) =	sbr.abs _section_cstart, $3  }
0xbe: {  	[dreg:$0x1] =	wrdreg $0xFFFFFFFF  }
0xbf: {  	_ =	task.clear_ibuf [dreg:s5], $0x2FFFF;
	_ =	strace $0x9FFFFFFF  }
0xc0: {  	(tm) =	ssettm $0x7FFFFFFF  }
0xc1: {  	_ =	shalt  }
tec
execute0_lowered:
.L_overlay_start_1:
0x0: {  	(tag) =	ssettag $0x1  }
0x1: {  	s0 =	stileid.u32  }
0x2: {  	s1 =	smin.u32 s0, $0x9  }
0x3: {  	s1 =	sadd.s32 s0, s1  }
0x4: {  	s2 =	simm.s32 $0x320;
	p0 =	slt.u32 s0, $0x9;
	s1 =	smul.u32 $0x190, s1  }
0x5: {  	s2 =	simm.s32 @!p0 $0x190  }
0x6: {  	s2 =	sadd.s32 s2, s1  }
0x7: {  	s3 =	smin.u32 s2, $0x2710  }
0x8: {  	s7 =	ssub.s32 s3, s1  }
0x9: {  	p0 =	sgt.s32 s7, $0x0  }
0xa: {  	s7 =	simm.s32 @!p0 $0x0  }
0xb: {  	s31 =	sand.u32 $0xFFF0, s7  }
0xc: {  	s2 =	sshrl.u32 s31, $0x4  }
0xd: {  	s4 =	rddreg [dreg:$0x0];
	s2 =	smul.u32 $0xA3E, s2  }
0xe: {  	s9 =	rddreg [dreg:$0x1];
	s6 =	simm.s32 $0x1  }
0xf: {  	s11 =	simm.s32 $0x3;
	s13 =	simm.s32 $0x0;
	s8 =	sshrl.u32 s2, $0x10  }
0x10: {  	s12 =	simm.s32 $0x0;
	s5 =	sadd.s32 $0x2200, s9;
	s10 =	smul.u32 $0x190, s8  }
.Ltmp0:
0x11: {  	s9 =	sadd.s32 $0x2800, s9;
	s2 =	rddreg [dreg:$0x2];
	(pc) =	sbr.rel .LBB2_1-.Ltmp0, $4  }
0x12: {  	_ =	strace $0x80000047;
	p0 =	sne.s32 s7, s10;
	s10 =	simm.s32 $0x1  }
0x13: {  	[sflag:s6] =	ssyncpa.u1 $0x0;
	s7 =	simm.s32 $0x2;
	s10 =	simm.s32 @!p0 $0x0  }
0x14: {  	[sflag:s7] =	ssyncpa.u1 $0x0;
	p0 =	por $0x0, $0x0;
	s8 =	sadd.s32 s8, s10  }
0x15: {  	vm0 =	vmmov $0xff;
	vm1 =	vcmask $0x3F20;
	[sflag:s11] =	ssyncpa.u1 $0x0;
	s11 =	smov.u32 s1;
	s10 =	sadd.s32 $0x1, s8  }
.LBB2_6:
0x16: {  	[hbm:s17] =	stream.linear.scatter [tilespmem:s14], [sflag:$0x3], $0x400, $0x38;
	[tilespmem:$0x19320] =	vst v63  }
.LBB2_7:
0x17: {  	s13 =	sadd.s32 $0x190, s11  }
0x18: {  	s15 =	smov.u32 s1;
	p2 =	slt.s32 s13, s3  }
0x19: {  	s15 =	smov.u32 @p2 s13;
	p2 =	sne.s32 s12, s10  }
.Ltmp1:
0x1a: {  	p1 =	slt.u32 s12, $0x2;
	(pc) =	sbr.rel @!p2 .LBB2_8-.Ltmp1, $4  }
0x1b: {  	s14 =	simm.s32 @!p1 $0x3  }
0x1c: {  	s16 =	sadd.s32 $0x1, s12;
	_ =	swait.ge @!p1 [sflag:s14], $0xC800  }
0x1d: {  	p0 =	por !p0, !p0;
	s13 =	smov.u32 s11;
	[sflag:s14] =	ssyncset.done @!p1 $0x0  }
0x1e: {  	s12 =	smov.u32 s16;
	s11 =	smov.u32 s15;
	[sflag:s14] =	ssyncadd.s32 @!p1 $0xFFFF3800  }
.LBB2_1:
0x1f: {  	p1 =	sge.u32 s12, s8  }
0x20: {  	s14 =	sxor.u32 @!p1 $0xFFFFFFFF, s12  }
0x21: {  	s14 =	sand.u32 @!p1 $0x1, s14  }
0x22: {  	s14 =	smul.u32 @!p1 $0x640, s14  }
0x23: {  	s31 =	sadd.s32 $0xFFFFFFFF, s12;
	s15 =	sshrl.u32 @!p1 s11, $0x3  }
0x24: {  	s16 =	sand.u32 @!p1 $0x7, s11;
	s15 =	sadd.s32 @!p1 s5, s15;
	s14 =	sshrl.u32 @!p1 s14, $0x2  }
0x25: {  	[tilespmem:s14], [sflag:$0x2] =	stream.linear.gather @!p1 [hbm4b:s15+s16], $0x190, $0x38;
	[tilespmem:$0x19320] =	vst v63  }
0x26: {  	p1 =	sge.u32 s31, s8  }
.Ltmp2:
0x27: {  	_ = 	snop;
	(pc) =	sbr.rel @p1 .LBB2_7-.Ltmp2, $1  }
0x28: {  	_ =	sdelay $0x3  }
0x29: {  	s14 =	simm.s32 $0x1  }
0x2a: {  	s14 =	simm.s32 @!p0 $0x0  }
0x2b: {  	s15 =	smul.u32 $0x640, s14  }
0x2c: {  	_ =	swait.ge [sflag:s7], $0x190  }
0x2d: {  	[sflag:s7] =	ssyncset.done $0x0;
	s16 =	sshrl.u32 s15, $0x2  }
0x2e: {  	[sflag:s7] =	ssyncadd.s32 $0xFFFFFE70;
	s15 =	sadd.s32 $0x0, s16  }
0x2f: {  	v0 =	vld.msk [tilespmem:s15+$0x0 ss:$0x1], $0xffff;
	_ =	sdelay $0x4  }
0x30: {  	vm2 =	vgt.s32 v0, $0x0  }
0x31: {  	v0 =	vnsel vm2, $0x0, v0  }
0x32: {  	v0 =	vmin.u32 v0, $0x270F  }
0x33: {  	v0 =	vshll.u32 v0, $0x4  }
0x34: {  	s14 =	smul.u32 $0x32000, s14;
	_ =	sdelay $0x1  }
0x35: {  	s14 =	sshrl.u32 s14, $0x2  }
0x36: {  	s14 =	sor.u32 $0x320, s14  }
0x37: {  	[tilespmem:s14], [sflag:$0x1] =	stream.indirect_vreg.gather [hbm:s4], $0x80, v0, vm0, $0x38;
	[tilespmem:$0x19320] =	vst v63  }
0x38: {  	s17 =	sadd.s32 $0x10, s16;
	s15 =	sadd.s32 $0x400, s14  }
0x39: {  	[tilespmem:s15], [sflag:$0x1] =	stream.indirect_vreg.gather [hbm:s4], $0x80, v0, vm1, $0x38;
	[tilespmem:$0x19320] =	vst v63  }
0x3a: {  	s18 =	simm.s32 $0x80;
	v0 =	vld.msk [tilespmem:s17+$0x0 ss:$0x1], $0xffff;
	s17 =	smov.u32 s14  }
.LBB2_3:
0x3b: {  	p1 =	sne.s32 s18, $0x600;
	_ =	sdelay $0x4  }
0x3c: {  	vm2 =	vgt.s32 v0, $0x0  }
0x3d: {  	v0 =	vnsel vm2, $0x0, v0  }
0x3e: {  	v0 =	vmin.u32 v0, $0x270F  }
0x3f: {  	v0 =	vshll.u32 v0, $0x4;
	_ =	sdelay $0x3  }
.Ltmp3:
0x40: {  	s19 =	sshra.s32 s18, $0x2;
	s17 =	sadd.s32 $0x800, s17;
	(pc) =	sbr.rel @p1 .LBB2_3-.Ltmp3, $4  }
0x41: {  	[tilespmem:s17], [sflag:$0x1] =	stream.indirect_vreg.gather [hbm:s4], $0x80, v0, vm0, $0x38;
	[tilespmem:$0x19320] =	vst v63  }
0x42: {  	s19 =	sadd.s32 s19, s16;
	s20 =	sadd.s32 $0x400, s17  }
0x43: {  	[tilespmem:s20], [sflag:$0x1] =	stream.indirect_vreg.gather [hbm:s4], $0x80, v0, vm1, $0x38;
	[tilespmem:$0x19320] =	vst v63  }
0x44: {  	s18 =	sadd.s32 $0x40, s18;
	v0 =	vld.msk [tilespmem:s19+$0x0 ss:$0x1], $0xffff  }
0x45: {  	_ =	sdelay $0x3  }
0x46: {  	vm2 =	vgt.s32 v0, $0x0  }
0x47: {  	v0 =	vnsel vm2, $0x0, v0  }
0x48: {  	v0 =	vmin.u32 v0, $0x270F  }
0x49: {  	v0 =	vshll.u32 v0, $0x4;
	_ =	sdelay $0x3  }
0x4a: {  	s16 =	sadd.s32 $0x800, s17  }
0x4b: {  	[tilespmem:s16], [sflag:$0x1] =	stream.indirect_vreg.gather [hbm:s4], $0x80, v0, vm0, $0x38;
	[tilespmem:$0x19320] =	vst v63  }
0x4c: {  	s16 =	sadd.s32 $0x400, s16  }
0x4d: {  	[tilespmem:s16], [sflag:$0x1] =	stream.indirect_vreg.gather [hbm:s4], $0x80, v0, vm1, $0x38;
	[tilespmem:$0x19320] =	vst v63  }
0x4e: {  	s13 =	sshll.u32 s13, $0x4;
	_ =	swait.ge [sflag:s6], $0xC800  }
0x4f: {  	s13 =	sadd.s32 s13, s9;
	[sflag:s6] =	ssyncset.done $0x0  }
0x50: {  	s17 =	sadd.s32 $0x0, s13;
	s16 =	simm.s32 $0x80;
	[sflag:s6] =	ssyncadd.s32 $0xFFFF3800  }
.LBB2_5:
0x51: {  	[hbm:s17] =	stream.linear.scatter [tilespmem:s14], [sflag:$0x3], $0x400, $0x38;
	[tilespmem:$0x19320] =	vst v63  }
0x52: {  	s17 =	smov.u32 s16;
	s14 =	smov.u32 s15;
	p1 =	sne.s32 s16, $0x1880  }
.Ltmp4:
0x53: {  	s16 =	sadd.s32 $0x80, s16;
	(pc) =	sbr.rel @p1 .LBB2_5-.Ltmp4, $2  }
0x54: {  	_ =	sdelay $0x2  }
0x55: {  	s15 =	sadd.s32 $0x400, s15;
	s17 =	sadd.s32 s17, s13  }
.Ltmp5:
0x56: {  	_ = 	snop;
	(pc) =	sbr.rel .LBB2_6-.Ltmp5, $1  }
0x57: {  	_ =	sdelay $0x3  }
.LBB2_8:
0x58: {  	_ =	sfence.sel $0x180000  }
0x59: {  	s1 =	simm.s32 $0x2;
	[bflag:$0x0] =	sbarrier.arrive $0xFFFF  }
0x5a: {  	s30 =	simm.s32 $0x3;
	[sflag:s1] =	ssyncpa.u1 $0x1  }
0x5b: {  	s31 =	simm.s32 $0x1;
	[sflag:s30] =	ssyncpa.u1 $0x1  }
0x5c: {  	[sflag:s31] =	ssyncpa.u1 $0x1  }
0x5d: {  	p0 =	sne.s32 s0, $0x0;
	_ =	strace $0x90000047  }
0x5e: {  	s0 =	sadd.s32 @!p0 $0x100000, s2;
	[bflag:$0x2] =	sbarrier.arrive $0xFFFF  }
0x5f: {  	[sflag:s0] =	ssyncadd.tile.s32 @!p0 $0x1;
	_ =	shalt  }
.Lfunc_end2:
_tile_overlayer_lowered:
.L_overlay_start_2:
0x60: {  	(tag) =	ssettag $0x2  }
0x61: {  	s0 =	rddreg [dreg:$0x0];
	s2 =	stileid.u32  }
0x62: {  	s1 =	rddreg [dreg:$0x1];
	p0 =	sne.s32 s2, $0x0  }
0x63: {  	s3 =	rddreg [dreg:$0x2];
	[bflag:$0x3] =	sbarrier.arrive $0xFFFF;
	s2 =	simm.s32 @!p0 $0x1C01  }
0x64: {  	[timem:s3], [sflag:s2] =	dma.local @!p0 [hbm:s0], s1  }
0x65: {  	s0 =	simm.s32 @!p0 $0x1  }
0x66: {  	_ =	swait.ge @!p0 [sflag:s0], s1  }
0x67: {  	s1 =	ssub.s32 @!p0 $0x0, s1;
	[sflag:s0] =	ssyncset.done @!p0 $0x0  }
0x68: {  	[sflag:s0] =	ssyncadd.s32 @!p0 s1  }
0x69: {  	[bflag:$0x3] =	sbarrier.arrive $0xFFFF  }
0x6a: {  	_ =	shalt  }

// kernel: kernel.10.cloned.1.call-start
scs
__scs_entry_jumppad:
0x0: {  	(pc) =	sbr.rel $0x88, $3  }
0x1: {  	(tag) =	ssettag $0x0;
	lr =	simm.s32 $0x1  }
0x2: {  	[smem:$0x3F8B] =	sst lr;
	_ =	strace $0xD0000000  }
0x3: {  	_ = 	snop  }
0x4: {  	_ = 	snop  }
0x5: {  	_ = 	snop  }
0x6: {  	_ = 	snop  }
0x7: {  	_ = 	snop  }
__scs_overlays_trampoline_lowered:
0x8: {  	[smem:$0x3F9A] =	sst s0  }
0x9: {  	[smem:$0x3F9B] =	sst s1  }
0xa: {  	[smem:$0x3F9C] =	sst s2  }
0xb: {  	[smem:$0x3F9D] =	sst s3  }
0xc: {  	[smem:$0x3F9E] =	sst s4  }
0xd: {  	[smem:$0x3F9F] =	sst s5  }
0xe: {  	[smem:$0x3FA0] =	sst s6  }
0xf: {  	[smem:$0x3FA1] =	sst s7  }
0x10: {  	[smem:$0x3FA2] =	sst s8  }
0x11: {  	[smem:$0x3FA3] =	sst s9;
	s0 =	simm.s32 @!p0 $0x0  }
0x12: {  	s1 =	sld [smem:$0x3F89];
	s0 =	simm.s32 @p0 $0x1  }
0x13: {  	[smem:$0x3FA4] =	sst s0;
	s0 =	simm.s32 @!p1 $0x0  }
0x14: {  	s2 =	sld [smem:$0x3F88];
	s0 =	simm.s32 @p1 $0x1  }
0x15: {  	[smem:$0x3FA5] =	sst s0;
	s0 =	simm.s32 @!p2 $0x0  }
0x16: {  	s3 =	sld [smem:$0x3FDB];
	s0 =	simm.s32 @p2 $0x1  }
0x17: {  	s4 =	simm.s32 $0x1BF5;
	[smem:$0x3FA7] =	sst s0  }
0x18: {  	s0 =	sld [smem:$0x3F8A];
	_ =	swait.ge [sflag:s4], $0x0  }
0x19: {  	s7 =	sld [smem:$0x3F8B]  }
0x1a: {  	s8 =	sadd.s32 $0xFFFFE003, lr  }
0x1b: {  	s9 =	sadd.s32 $0xFFFFFEF7, lr;
	s5 =	simm.s32 $0xFFFFFFFF;
	p2 =	slt.u32 s8, $0xFFFFF086  }
0x1c: {  	p1 =	slt.u32 s9, $0xF7A;
	s5 =	simm.s32 @!p2 $0x0  }
0x1d: {  	s5 =	simm.s32 @p1 $0x1;
	p0 =	seq.s32 s7, s2  }
0x1e: {  	s7 =	smul.u32 @!p0 $0xF7A, s2;
	p2 =	seq.s32 @!p0 s5, $0x0  }
0x1f: {  	s9 =	smul.u32 $0xF7A, s1;
	s8 =	simm.s32 @!p0 $0x1BF5;
	p2 =	por !p2, p0  }
0x20: {  	[sflag:s8] =	ssyncset.s32 @!p0 $0xFFFFF086;
	s6 =	sadd.s32 @!p0 s3, s7;
	s7 =	simm.s32 @!p0 $0x108  }
0x21: {  	s3 =	sadd.s32 s3, s9;
	s6 =	sadd.s32 @!p0 $0x88, s6;
	s7 =	simm.s32 @p2 $0x1082  }
0x22: {  	[simem:s7], [sflag:s8] =	dma.local @!p0 [hbm:s6], $0xF7A  }
0x23: {  	s9 =	sor.u32 $0xD0000000, s2;
	s6 =	simm.s32 $0x108;
	_ =	swait.ge @!p0 [sflag:s8], $0x0  }
0x24: {  	s3 =	sadd.s32 $0x88, s3;
	s6 =	simm.s32 @!p1 $0x1082;
	[sflag:s4] =	ssyncset.s32 $0xFFFFF086  }
0x25: {  	[simem:s6], [sflag:s4] =	dma.local [hbm:s3], $0xF7A  }
0x26: {  	[smem:$0x3F8B] =	sst s1;
	(tag) =	ssettag s2;
	_ =	strace s9  }
0x27: {  	s1 =	sld [smem:$0x3F9B]  }
0x28: {  	s2 =	sld [smem:$0x3F9C]  }
0x29: {  	s4 =	sld [smem:$0x3F9E]  }
0x2a: {  	p0 =	seq.s32 s5, $0x0;
	s5 =	sld [smem:$0x3F9F]  }
0x2b: {  	s6 =	sld [smem:$0x3FA0]  }
0x2c: {  	s7 =	sld [smem:$0x3FA1]  }
0x2d: {  	s3 =	simm.s32 $0x108;
	s8 =	sld [smem:$0x3FA2]  }
0x2e: {  	s3 =	simm.s32 @!p0 $0x1082;
	s9 =	sld [smem:$0x3FA3]  }
0x2f: {  	lr =	sadd.s32 s0, s3;
	s0 =	sld [smem:$0x3F9A]  }
0x30: {  	s3 =	sld [smem:$0x3F9D]  }
0x31: {  	[smem:$0x3FA6] =	sst s10  }
0x32: {  	s10 =	sld [smem:$0x3FA4];
	_ =	sdelay $0x3  }
0x33: {  	p0 =	seq.s32 s10, $0x1;
	s10 =	sld [smem:$0x3FA6];
	_ =	sdelay $0x3  }
0x34: {  	[smem:$0x3FA6] =	sst s10  }
0x35: {  	s10 =	sld [smem:$0x3FA5];
	_ =	sdelay $0x3  }
0x36: {  	p1 =	seq.s32 s10, $0x1;
	s10 =	sld [smem:$0x3FA6];
	_ =	sdelay $0x3  }
0x37: {  	[smem:$0x3FA6] =	sst s10  }
0x38: {  	s10 =	sld [smem:$0x3FA7]  }
0x39: {  	_ = 	snop;
	(pc) =	sbr.ind lr, $3  }
0x3a: {  	_ = 	snop  }
0x3b: {  	_ = 	snop  }
0x3c: {  	p2 =	seq.s32 s10, $0x1;
	s10 =	sld [smem:$0x3FA6]  }
0x3d: {  	_ =	shalt  }
0x3e: {  	_ =	shalt  }
0x3f: {  	_ =	shalt  }
0x40: {  	_ =	shalt  }
0x41: {  	_ =	shalt  }
0x42: {  	_ =	shalt  }
0x43: {  	_ =	shalt  }
0x44: {  	_ =	shalt  }
0x45: {  	_ =	shalt  }
0x46: {  	_ =	shalt  }
0x47: {  	_ =	shalt  }
0x48: {  	_ =	shalt  }
0x49: {  	_ =	shalt  }
0x4a: {  	_ =	shalt  }
0x4b: {  	_ =	shalt  }
0x4c: {  	_ =	shalt  }
0x4d: {  	_ =	shalt  }
0x4e: {  	_ =	shalt  }
0x4f: {  	_ =	shalt  }
0x50: {  	_ =	shalt  }
0x51: {  	_ =	shalt  }
0x52: {  	_ =	shalt  }
0x53: {  	_ =	shalt  }
0x54: {  	_ =	shalt  }
0x55: {  	_ =	shalt  }
0x56: {  	_ =	shalt  }
0x57: {  	_ =	shalt  }
0x58: {  	_ =	shalt  }
0x59: {  	_ =	shalt  }
0x5a: {  	_ =	shalt  }
0x5b: {  	_ =	shalt  }
0x5c: {  	_ =	shalt  }
0x5d: {  	_ =	shalt  }
0x5e: {  	_ =	shalt  }
0x5f: {  	_ =	shalt  }
0x60: {  	_ =	shalt  }
0x61: {  	_ =	shalt  }
0x62: {  	_ =	shalt  }
0x63: {  	_ =	shalt  }
0x64: {  	_ =	shalt  }
0x65: {  	_ =	shalt  }
0x66: {  	_ =	shalt  }
0x67: {  	_ =	shalt  }
0x68: {  	_ =	shalt  }
0x69: {  	_ =	shalt  }
0x6a: {  	_ =	shalt  }
0x6b: {  	_ =	shalt  }
0x6c: {  	_ =	shalt  }
0x6d: {  	_ =	shalt  }
0x6e: {  	_ =	shalt  }
0x6f: {  	_ =	shalt  }
0x70: {  	_ =	shalt  }
0x71: {  	_ =	shalt  }
0x72: {  	_ =	shalt  }
0x73: {  	_ =	shalt  }
0x74: {  	_ =	shalt  }
0x75: {  	_ =	shalt  }
0x76: {  	_ =	shalt  }
0x77: {  	_ =	shalt  }
0x78: {  	_ =	shalt  }
0x79: {  	_ =	shalt  }
0x7a: {  	_ =	shalt  }
0x7b: {  	_ =	shalt  }
0x7c: {  	_ =	shalt  }
0x7d: {  	_ =	shalt  }
0x7e: {  	_ =	shalt  }
0x7f: {  	_ =	shalt  }
0x80: {  	_ =	shalt  }
0x81: {  	_ =	shalt  }
0x82: {  	_ =	shalt  }
0x83: {  	_ =	shalt  }
0x84: {  	_ =	shalt  }
0x85: {  	_ =	shalt  }
0x86: {  	_ =	shalt  }
0x87: {  	_ =	shalt  }
.Lfunc_end0:
.L_simem_size_0:
called_computation.2_lowered:
.L_overlay_start_0:
0x88: {  	s2 =	sld [smem:$0x3FD9]  }
0x89: {  	s3 =	sld [smem:$0x3FFE];
	_ =	sdelay $0x1  }
0x8a: {  	s1 =	srdreg.scid  }
0x8b: {  	s0 =	sand.u32 $0x1, s1  }
0x8c: {  	s16 =	sshll.u32 s0, $0xA;
	s2 =	sadd.s32 s3, s2  }
0x8d: {  	s2 =	sadd.s32 s2, s16  }
0x8e: {  	[smem:$0x3FB2] =	sst s2  }
0x8f: {  	_ = 	snop  }
0x90: {  	(tm) =	ssettm $0x1  }
0x91: {  	s17 =	sld [smem:$0x3FFB];
	_ =	sdelay $0x3  }
0x92: {  	_ =	strace s17  }
0x93: {  	s2 =	sld [smem:$0x3FFC];
	_ =	sdelay $0x3  }
0x94: {  	_ =	strace s2  }
0x95: {  	s2 =	sld [smem:$0x3FFD];
	_ =	sdelay $0x3  }
0x96: {  	_ =	strace s2  }
0x97: {  	_ =	strace $0x8FFFFFFF  }
0x98: {  	s18 =	sld [smem:$0x3FDB];
	_ =	sdelay $0x1  }
0x99: {  	s19 =	simm.s32 $_scs_section_size  }
0x9a: {  	s4 =	simm.s32 $_size__tile_overlayer_lowered;
	s5 =	simm.s32 $_tile_overlayer_lowered  }
0x9b: {  	s22 =	simm.s32 $0x1BFF;
	s21 =	sshll.u32 s5, $0x1;
	s2 =	sadd.s32 s19, s18  }
0x9c: {  	s6 =	simm.s32 $0x0;
	s20 =	sshll.u32 s4, $0x1;
	s4 =	sadd.s32 s21, s2  }
0x9d: {  	[timem:s6], [sflag:s22] =	dma.local [hbm:s4], s20  }
0x9e: {  	_ =	swait.ge [sflag:s22], s20  }
0x9f: {  	s3 =	ssub.s32 $0x0, s20;
	[sflag:s22] =	ssyncset.done $0x0  }
0xa0: {  	[sflag:s22] =	ssyncadd.s32 s3;
	_ =	sdelay $0x1  }
0xa1: {  	s23 =	simm.s32 $0x1B8B  }
0xa2: {  	_ =	swait.ge [sflag:s23], $0x1  }
0xa3: {  	[sflag:s23] =	ssyncset.done $0x0  }
0xa4: {  	s25 =	simm.s32 $0x1B8E;
	s24 =	sld [smem:$0x3FFE];
	[sflag:s23] =	ssyncadd.s32 $0xFFFFFFFF  }
0xa5: {  	s26 =	simm.s32 $execute0_lowered;
	[smem:$0x3FD2] =	sst s25  }
0xa6: {  	s4 =	sshll.u32 s26, $0x1;
	_ =	strace $0x8000004C;
	[dreg:$0x1] =	wrdreg $0xFFFFFFFF  }
0xa7: {  	s28 =	simm.s32 $_size_execute0_lowered;
	s2 =	sadd.s32 s2, s4;
	[dreg:$0x0] =	wrdreg $0x0  }
0xa8: {  	s4 =	sshll.u32 s28, $0x1;
	[dreg:$0x2] =	wrdreg s2  }
0xa9: {  	[dreg:$0x3] =	wrdreg s4  }
0xaa: {  	[dreg:$0x4] =	wrdreg $0xC0  }
0xab: {  	_ =	task [dreg:s6], $0x5FFFF  }
0xac: {  	[dreg:$0x1] =	wrdreg $0xFFFFFFFF  }
0xad: {  	[dreg:$0x0] =	wrdreg $0x60  }
0xae: {  	[dreg:$0x2] =	wrdreg s24  }
0xaf: {  	[dreg:$0x3] =	wrdreg $0x0  }
0xb0: {  	[dreg:$0x4] =	wrdreg $0x9  }
0xb1: {  	_ =	task.clear_ibuf [dreg:s6], $0x5FFFF;
	_ =	strace $0x9000004C  }
0xb2: {  	s29 =	simm.s32 $0x9;
	_ =	strace $0x8000004E  }
0xb3: {  	_ =	swait.ge [sflag:s29], $0x1  }
0xb4: {  	[sflag:s29] =	ssyncadd.s32 $0xFFFFFFFF  }
0xb5: {  	_ =	strace $0x9000004E  }
0xb6: {  	_ =	sfence  }
0xb7: {  	s30 =	sld [smem:$0x0];
	_ =	sdelay $0x2  }
0xb8: {  	s31 =	sshll.u32 s1, $0xD;
	s1 =	sshrl.u32 s1, $0x2  }
0xb9: {  	s3 =	sand.u32 $0x4000, s31;
	s1 =	sadd.s32 s1, s30  }
0xba: {  	s0 =	sor.u32 s3, s0;
	s1 =	sshll.u32 s1, $0x11  }
0xbb: {  	s0 =	sor.u32 s1, s0  }
0xbc: {  	s0 =	sadd.s32 $0x8F2B, s0  }
0xbd: {  	[sflag:s0] =	ssyncadd.remote.s32 $0x1  }
0xbe: {  	_ =	sfence.sel $0xFFFF  }
0xbf: {  	[dreg:$0x0] =	wrdreg $0xFFFFFFFF;
	(pc) =	sbr.abs _section_cstart, $3  }
0xc0: {  	[dreg:$0x1] =	wrdreg $0xFFFFFFFF  }
0xc1: {  	_ =	task.clear_ibuf [dreg:s6], $0x2FFFF;
	_ =	strace $0x9FFFFFFF  }
0xc2: {  	(tm) =	ssettm $0x7FFFFFFF  }
0xc3: {  	_ =	shalt  }
tec
execute0_lowered:
.L_overlay_start_1:
0x0: {  	(tag) =	ssettag $0x1  }
0x1: {  	s5 =	rddreg [dreg:$0x0]  }
0x2: {  	s2 =	rddreg [dreg:$0x1]  }
0x3: {  	s0 =	rddreg [dreg:$0x2]  }
0x4: {  	s3 =	simm.s32 $0x0;
	s1 =	stileid.u32;
	s4 =	srdreg.scid  }
0x5: {  	s17 =	simm.s32 $0x1;
	s18 =	simm.s32 $0x2;
	s19 =	simm.s32 $0x50  }
0x6: {  	s20 =	simm.s32 $0x0;
	[smem:$0x7FF] =	sst s3;
	s7 =	smul.u32 $0x14000, s1  }
0x7: {  	s6 =	sand.u32 $0x1, s4;
	s9 =	sshll.u32 s1, $0x1;
	s28 =	smul.u32 $0x4E20, s1  }
0x8: {  	s12 =	sadd.s32 $0x13D9200, s5;
	s4 =	sadd.s32 $0x2200, s5;
	s8 =	smul.u32 $0x140000, s6  }
0x9: {  	s29 =	sshll.u32 s1, $0x6;
	s9 =	sor.u32 s6, s9;
	s15 =	smul.u32 $0x2710, s6  }
0xa: {  	_ =	strace $0x8000004D;
	s26 =	ssub.s32 $0x2, s6;
	s11 =	smul.u32 $0x2710, s9  }
0xb: {  	s10 =	sshrl.u32 s7, $0x3;
	s9 =	smul.u32 $0x27100, s9;
	s14 =	sshrl.u32 s26, $0x1  }
0xc: {  	s16 =	sadd.s32 s7, s2;
	s8 =	sadd.s32 s7, s8;
	s10 =	sadd.s32 s10, s5  }
0xd: {  	s14 =	ssub.s32 s26, s14;
	s30 =	sadd.s32 s15, s28;
	s15 =	sshrl.u32 s16, $0x3  }
0xe: {  	s16 =	simm.s32 $0x3;
	s8 =	sshrl.u32 s8, $0x3;
	s11 =	sshrl.u32 s11, $0x3  }
0xf: {  	s6 =	sadd.s32 s12, s9;
	s7 =	sadd.s32 $0xC000, s10;
	s9 =	sadd.s32 $0x50, s30  }
0x10: {  	s13 =	sadd.s32 s8, s5;
	s5 =	sadd.s32 s4, s11;
	s8 =	sor.u32 $0x1C03, s29  }
0x11: {  	s11 =	smax.u32 s14, $0x1;
	s31 =	sshll.u32 s9, $0x4;
	s14 =	simm.s32 $0x140A0  }
0x12: {  	s10 =	sadd.s32 $0x34000, s13;
	s12 =	sadd.s32 s31, s12;
	s13 =	simm.s32 $0x14000  }
.LBB2_1:
0x13: {  	[tilespmem:s13], [sflag:$0x1] =	stream.linear.gather [hbm4b:s5+s3], $0x50, $0x38;
	[tilespmem:$0x190A0] =	vst v63  }
0x14: {  	_ = 	snop  }
0x15: {  	[tilespmem:s14], [sflag:$0x2] =	stream.linear.gather [hbm4b:s6+s3], $0x2800, $0x38;
	[tilespmem:$0x190A0] =	vst v63  }
0x16: {  	[spmem:s15], [sflag:s8] =	dma.local [hbm:s7], $0x2800  }
0x17: {  	_ =	swait.ge [sflag:s16], $0x2800  }
0x18: {  	[sflag:s16] =	ssyncset.done $0x0  }
0x19: {  	[sflag:s16] =	ssyncadd.s32 $0xFFFFD800  }
0x1a: {  	[bflag:$0x0] =	sbarrier.arrive $0xFFFF  }
0x1b: {  	s21 =	sand.u32 $0x1, s3;
	_ =	swait.ge [sflag:s17], $0x50  }
0x1c: {  	s22 =	smul.u32 $0x140, s21;
	s23 =	sxor.u32 $0x1, s21;
	[sflag:s17] =	ssyncset.done $0x0  }
0x1d: {  	s25 =	sshrl.u32 s9, $0x3;
	s24 =	smul.u32 $0x140, s23;
	[sflag:s17] =	ssyncadd.s32 $0xFFFFFFB0  }
0x1e: {  	s25 =	sadd.s32 s4, s25;
	s23 =	smul.u32 $0xA000, s23;
	_ =	swait.ge [sflag:s18], $0x2800  }
0x1f: {  	s21 =	smul.u32 $0xA000, s21;
	s24 =	sshrl.u32 s24, $0x2;
	[sflag:s18] =	ssyncset.done $0x0  }
0x20: {  	s23 =	sshrl.u32 s23, $0x2;
	s24 =	sor.u32 $0x14000, s24;
	[sflag:s18] =	ssyncadd.s32 $0xFFFFD800  }
0x21: {  	[tilespmem:s24], [sflag:$0x1] =	stream.linear.gather [hbm4b:s25+s3], $0x50, $0x38;
	[tilespmem:$0x190A0] =	vst v63  }
0x22: {  	s22 =	sshrl.u32 s22, $0x2;
	s21 =	sshrl.u32 s21, $0x2;
	s23 =	sor.u32 $0x140A0, s23  }
0x23: {  	[tilespmem:s23], [sflag:$0x2] =	stream.linear.gather [hbm4b:s12+s3], $0x2800, $0x38;
	[tilespmem:$0x190A0] =	vst v63  }
0x24: {  	s22 =	sor.u32 $0x14000, s22;
	s21 =	sor.u32 $0x140A0, s21  }
0x25: {  	[spmem:s2] =	stream.indirect.scatter.add.f32 [tilespmem:s21], [sflag:$0x3], $0x80, s22, s19, $0xb8;
	[tilespmem:$0x190A0] =	vst v63  }
0x26: {  	s23 =	smov.u32 s9;
	_ =	swait.ge [sflag:s16], $0x2800  }
0x27: {  	s21 =	simm.s32 $0x1;
	s22 =	smov.u32 s12;
	[sflag:s16] =	ssyncset.done $0x0  }
.LBB2_2:
0x28: {  	[sflag:s16] =	ssyncadd.s32 $0xFFFFD800;
	s22 =	sadd.s32 $0x500, s22;
	s23 =	sadd.s32 $0x50, s23  }
0x29: {  	p0 =	sne.s32 s21, $0x7B;
	s24 =	smov.u32 s21;
	s21 =	sadd.s32 $0x1, s21  }
0x2a: {  	s24 =	sand.u32 $0x1, s24;
	_ =	swait.ge [sflag:s17], $0x50  }
0x2b: {  	s25 =	smul.u32 $0x140, s24;
	s26 =	sxor.u32 $0x1, s24;
	[sflag:s17] =	ssyncset.done $0x0  }
0x2c: {  	s29 =	sshrl.u32 s23, $0x3;
	s28 =	smul.u32 $0x140, s26;
	[sflag:s17] =	ssyncadd.s32 $0xFFFFFFB0  }
0x2d: {  	s29 =	sadd.s32 s4, s29;
	s26 =	smul.u32 $0xA000, s26;
	_ =	swait.ge [sflag:s18], $0x2800  }
0x2e: {  	s24 =	smul.u32 $0xA000, s24;
	s28 =	sshrl.u32 s28, $0x2;
	[sflag:s18] =	ssyncset.done $0x0  }
0x2f: {  	s26 =	sshrl.u32 s26, $0x2;
	s28 =	sor.u32 $0x14000, s28;
	[sflag:s18] =	ssyncadd.s32 $0xFFFFD800  }
0x30: {  	[tilespmem:s28], [sflag:$0x1] =	stream.linear.gather [hbm4b:s29+s3], $0x50, $0x38;
	[tilespmem:$0x190A0] =	vst v63  }
0x31: {  	s25 =	sshrl.u32 s25, $0x2;
	s24 =	sshrl.u32 s24, $0x2;
	s26 =	sor.u32 $0x140A0, s26  }
0x32: {  	[tilespmem:s26], [sflag:$0x2] =	stream.linear.gather [hbm4b:s22+s3], $0x2800, $0x38;
	[tilespmem:$0x190A0] =	vst v63  }
.Ltmp0:
0x33: {  	_ = 	snop;
	(pc) =	sbr.rel @p0 .LBB2_2-.Ltmp0, $4  }
0x34: {  	s25 =	sor.u32 $0x14000, s25;
	s24 =	sor.u32 $0x140A0, s24  }
0x35: {  	[spmem:s2] =	stream.indirect.scatter.add.f32 [tilespmem:s24], [sflag:$0x3], $0x80, s25, s19, $0xb8;
	[tilespmem:$0x190A0] =	vst v63  }
0x36: {  	_ =	swait.ge [sflag:s16], $0x2800  }
0x37: {  	[sflag:s16] =	ssyncset.done $0x0  }
0x38: {  	[sflag:s16] =	ssyncadd.s32 $0xFFFFD800  }
0x39: {  	_ =	swait.ge [sflag:s17], $0x50  }
0x3a: {  	[sflag:s17] =	ssyncset.done $0x0  }
0x3b: {  	[sflag:s17] =	ssyncadd.s32 $0xFFFFFFB0  }
0x3c: {  	_ =	swait.ge [sflag:s18], $0x2800  }
0x3d: {  	[sflag:s18] =	ssyncset.done $0x0  }
0x3e: {  	[sflag:s18] =	ssyncadd.s32 $0xFFFFD800  }
0x3f: {  	[spmem:s2] =	stream.indirect.scatter.add.f32 [tilespmem:s14], [sflag:$0x3], $0x80, s13, s19, $0xb8;
	[tilespmem:$0x190A0] =	vst v63  }
0x40: {  	_ =	swait.ge [sflag:s16], $0x2800  }
0x41: {  	s20 =	sadd.s32 $0x1, s20;
	[sflag:s16] =	ssyncset.done $0x0  }
0x42: {  	p0 =	sne.s32 s20, s11;
	[sflag:s16] =	ssyncadd.s32 $0xFFFFD800  }
.Ltmp1:
0x43: {  	[bflag:$0x0] =	sbarrier.arrive $0xFFFF;
	(pc) =	sbr.rel @p0 .LBB2_1-.Ltmp1, $4  }
0x44: {  	[hbm:s10], [sflag:s8] =	dma.local [spmem:s15], $0x2800  }
0x45: {  	_ =	swait.ge [sflag:s16], $0x2800  }
0x46: {  	[sflag:s16] =	ssyncset.done $0x0  }
0x47: {  	[sflag:s16] =	ssyncadd.s32 $0xFFFFD800  }
0x48: {  	_ =	sfence.sel $0x180000  }
0x49: {  	[bflag:$0x0] =	sbarrier.arrive $0xFFFF  }
0x4a: {  	p0 =	sne.s32 s1, $0x0;
	_ =	strace $0x9000004D  }
0x4b: {  	s0 =	sadd.s32 @!p0 $0x100000, s0;
	[bflag:$0x2] =	sbarrier.arrive $0xFFFF  }
0x4c: {  	[sflag:s0] =	ssyncadd.tile.s32 @!p0 $0x1;
	_ =	shalt  }
.Lfunc_end2:
_tile_overlayer_lowered:
.L_overlay_start_2:
0x4d: {  	(tag) =	ssettag $0x2  }
0x4e: {  	s0 =	rddreg [dreg:$0x0];
	s2 =	stileid.u32  }
0x4f: {  	s1 =	rddreg [dreg:$0x1];
	p0 =	sne.s32 s2, $0x0  }
0x50: {  	s3 =	rddreg [dreg:$0x2];
	[bflag:$0x3] =	sbarrier.arrive $0xFFFF;
	s2 =	simm.s32 @!p0 $0x1C03  }
0x51: {  	[timem:s3], [sflag:s2] =	dma.local @!p0 [hbm:s0], s1  }
0x52: {  	s0 =	simm.s32 @!p0 $0x3  }
0x53: {  	_ =	swait.ge @!p0 [sflag:s0], s1  }
0x54: {  	s1 =	ssub.s32 @!p0 $0x0, s1;
	[sflag:s0] =	ssyncset.done @!p0 $0x0  }
0x55: {  	[sflag:s0] =	ssyncadd.s32 @!p0 s1  }
0x56: {  	[bflag:$0x3] =	sbarrier.arrive $0xFFFF  }
0x57: {  	_ =	shalt  }

// kernel: kernel.7.cloned.1.call-start
scs
__scs_entry_jumppad:
0x0: {  	(pc) =	sbr.rel $0x88, $3  }
0x1: {  	(tag) =	ssettag $0x0;
	lr =	simm.s32 $0x1  }
0x2: {  	[smem:$0x3F8B] =	sst lr;
	_ =	strace $0xD0000000  }
0x3: {  	_ = 	snop  }
0x4: {  	_ = 	snop  }
0x5: {  	_ = 	snop  }
0x6: {  	_ = 	snop  }
0x7: {  	_ = 	snop  }
__scs_overlays_trampoline_lowered:
0x8: {  	[smem:$0x3F9A] =	sst s0  }
0x9: {  	[smem:$0x3F9B] =	sst s1  }
0xa: {  	[smem:$0x3F9C] =	sst s2  }
0xb: {  	[smem:$0x3F9D] =	sst s3  }
0xc: {  	[smem:$0x3F9E] =	sst s4  }
0xd: {  	[smem:$0x3F9F] =	sst s5  }
0xe: {  	[smem:$0x3FA0] =	sst s6  }
0xf: {  	[smem:$0x3FA1] =	sst s7  }
0x10: {  	[smem:$0x3FA2] =	sst s8  }
0x11: {  	[smem:$0x3FA3] =	sst s9;
	s0 =	simm.s32 @!p0 $0x0  }
0x12: {  	s1 =	sld [smem:$0x3F89];
	s0 =	simm.s32 @p0 $0x1  }
0x13: {  	[smem:$0x3FA4] =	sst s0;
	s0 =	simm.s32 @!p1 $0x0  }
0x14: {  	s2 =	sld [smem:$0x3F88];
	s0 =	simm.s32 @p1 $0x1  }
0x15: {  	[smem:$0x3FA5] =	sst s0;
	s0 =	simm.s32 @!p2 $0x0  }
0x16: {  	s3 =	sld [smem:$0x3FDB];
	s0 =	simm.s32 @p2 $0x1  }
0x17: {  	s4 =	simm.s32 $0x1BF5;
	[smem:$0x3FA7] =	sst s0  }
0x18: {  	s0 =	sld [smem:$0x3F8A];
	_ =	swait.ge [sflag:s4], $0x0  }
0x19: {  	s7 =	sld [smem:$0x3F8B]  }
0x1a: {  	s8 =	sadd.s32 $0xFFFFE003, lr  }
0x1b: {  	s9 =	sadd.s32 $0xFFFFFEF7, lr;
	s5 =	simm.s32 $0xFFFFFFFF;
	p2 =	slt.u32 s8, $0xFFFFF086  }
0x1c: {  	p1 =	slt.u32 s9, $0xF7A;
	s5 =	simm.s32 @!p2 $0x0  }
0x1d: {  	s5 =	simm.s32 @p1 $0x1;
	p0 =	seq.s32 s7, s2  }
0x1e: {  	s7 =	smul.u32 @!p0 $0xF7A, s2;
	p2 =	seq.s32 @!p0 s5, $0x0  }
0x1f: {  	s9 =	smul.u32 $0xF7A, s1;
	s8 =	simm.s32 @!p0 $0x1BF5;
	p2 =	por !p2, p0  }
0x20: {  	[sflag:s8] =	ssyncset.s32 @!p0 $0xFFFFF086;
	s6 =	sadd.s32 @!p0 s3, s7;
	s7 =	simm.s32 @!p0 $0x108  }
0x21: {  	s3 =	sadd.s32 s3, s9;
	s6 =	sadd.s32 @!p0 $0x88, s6;
	s7 =	simm.s32 @p2 $0x1082  }
0x22: {  	[simem:s7], [sflag:s8] =	dma.local @!p0 [hbm:s6], $0xF7A  }
0x23: {  	s9 =	sor.u32 $0xD0000000, s2;
	s6 =	simm.s32 $0x108;
	_ =	swait.ge @!p0 [sflag:s8], $0x0  }
0x24: {  	s3 =	sadd.s32 $0x88, s3;
	s6 =	simm.s32 @!p1 $0x1082;
	[sflag:s4] =	ssyncset.s32 $0xFFFFF086  }
0x25: {  	[simem:s6], [sflag:s4] =	dma.local [hbm:s3], $0xF7A  }
0x26: {  	[smem:$0x3F8B] =	sst s1;
	(tag) =	ssettag s2;
	_ =	strace s9  }
0x27: {  	s1 =	sld [smem:$0x3F9B]  }
0x28: {  	s2 =	sld [smem:$0x3F9C]  }
0x29: {  	s4 =	sld [smem:$0x3F9E]  }
0x2a: {  	p0 =	seq.s32 s5, $0x0;
	s5 =	sld [smem:$0x3F9F]  }
0x2b: {  	s6 =	sld [smem:$0x3FA0]  }
0x2c: {  	s7 =	sld [smem:$0x3FA1]  }
0x2d: {  	s3 =	simm.s32 $0x108;
	s8 =	sld [smem:$0x3FA2]  }
0x2e: {  	s3 =	simm.s32 @!p0 $0x1082;
	s9 =	sld [smem:$0x3FA3]  }
0x2f: {  	lr =	sadd.s32 s0, s3;
	s0 =	sld [smem:$0x3F9A]  }
0x30: {  	s3 =	sld [smem:$0x3F9D]  }
0x31: {  	[smem:$0x3FA6] =	sst s10  }
0x32: {  	s10 =	sld [smem:$0x3FA4];
	_ =	sdelay $0x3  }
0x33: {  	p0 =	seq.s32 s10, $0x1;
	s10 =	sld [smem:$0x3FA6];
	_ =	sdelay $0x3  }
0x34: {  	[smem:$0x3FA6] =	sst s10  }
0x35: {  	s10 =	sld [smem:$0x3FA5];
	_ =	sdelay $0x3  }
0x36: {  	p1 =	seq.s32 s10, $0x1;
	s10 =	sld [smem:$0x3FA6];
	_ =	sdelay $0x3  }
0x37: {  	[smem:$0x3FA6] =	sst s10  }
0x38: {  	s10 =	sld [smem:$0x3FA7]  }
0x39: {  	_ = 	snop;
	(pc) =	sbr.ind lr, $3  }
0x3a: {  	_ = 	snop  }
0x3b: {  	_ = 	snop  }
0x3c: {  	p2 =	seq.s32 s10, $0x1;
	s10 =	sld [smem:$0x3FA6]  }
0x3d: {  	_ =	shalt  }
0x3e: {  	_ =	shalt  }
0x3f: {  	_ =	shalt  }
0x40: {  	_ =	shalt  }
0x41: {  	_ =	shalt  }
0x42: {  	_ =	shalt  }
0x43: {  	_ =	shalt  }
0x44: {  	_ =	shalt  }
0x45: {  	_ =	shalt  }
0x46: {  	_ =	shalt  }
0x47: {  	_ =	shalt  }
0x48: {  	_ =	shalt  }
0x49: {  	_ =	shalt  }
0x4a: {  	_ =	shalt  }
0x4b: {  	_ =	shalt  }
0x4c: {  	_ =	shalt  }
0x4d: {  	_ =	shalt  }
0x4e: {  	_ =	shalt  }
0x4f: {  	_ =	shalt  }
0x50: {  	_ =	shalt  }
0x51: {  	_ =	shalt  }
0x52: {  	_ =	shalt  }
0x53: {  	_ =	shalt  }
0x54: {  	_ =	shalt  }
0x55: {  	_ =	shalt  }
0x56: {  	_ =	shalt  }
0x57: {  	_ =	shalt  }
0x58: {  	_ =	shalt  }
0x59: {  	_ =	shalt  }
0x5a: {  	_ =	shalt  }
0x5b: {  	_ =	shalt  }
0x5c: {  	_ =	shalt  }
0x5d: {  	_ =	shalt  }
0x5e: {  	_ =	shalt  }
0x5f: {  	_ =	shalt  }
0x60: {  	_ =	shalt  }
0x61: {  	_ =	shalt  }
0x62: {  	_ =	shalt  }
0x63: {  	_ =	shalt  }
0x64: {  	_ =	shalt  }
0x65: {  	_ =	shalt  }
0x66: {  	_ =	shalt  }
0x67: {  	_ =	shalt  }
0x68: {  	_ =	shalt  }
0x69: {  	_ =	shalt  }
0x6a: {  	_ =	shalt  }
0x6b: {  	_ =	shalt  }
0x6c: {  	_ =	shalt  }
0x6d: {  	_ =	shalt  }
0x6e: {  	_ =	shalt  }
0x6f: {  	_ =	shalt  }
0x70: {  	_ =	shalt  }
0x71: {  	_ =	shalt  }
0x72: {  	_ =	shalt  }
0x73: {  	_ =	shalt  }
0x74: {  	_ =	shalt  }
0x75: {  	_ =	shalt  }
0x76: {  	_ =	shalt  }
0x77: {  	_ =	shalt  }
0x78: {  	_ =	shalt  }
0x79: {  	_ =	shalt  }
0x7a: {  	_ =	shalt  }
0x7b: {  	_ =	shalt  }
0x7c: {  	_ =	shalt  }
0x7d: {  	_ =	shalt  }
0x7e: {  	_ =	shalt  }
0x7f: {  	_ =	shalt  }
0x80: {  	_ =	shalt  }
0x81: {  	_ =	shalt  }
0x82: {  	_ =	shalt  }
0x83: {  	_ =	shalt  }
0x84: {  	_ =	shalt  }
0x85: {  	_ =	shalt  }
0x86: {  	_ =	shalt  }
0x87: {  	_ =	shalt  }
.Lfunc_end0:
.L_simem_size_0:
called_computation.1_lowered:
.L_overlay_start_0:
0x88: {  	s2 =	sld [smem:$0x3FD9]  }
0x89: {  	s3 =	sld [smem:$0x3FFE];
	_ =	sdelay $0x1  }
0x8a: {  	s1 =	srdreg.scid  }
0x8b: {  	s0 =	sand.u32 $0x1, s1  }
0x8c: {  	s17 =	sshll.u32 s0, $0xA;
	s2 =	sadd.s32 s3, s2  }
0x8d: {  	s2 =	sadd.s32 s2, s17  }
0x8e: {  	[smem:$0x3FB2] =	sst s2  }
0x8f: {  	_ = 	snop  }
0x90: {  	s2 =	sld [smem:$0x3FC9]  }
0x91: {  	s18 =	sld [smem:$0x3FC8]  }
0x92: {  	s4 =	sld [smem:$0x3FC4]  }
0x93: {  	s5 =	sld [smem:$0x3FD0];
	(tm) =	ssettm $0x1  }
0x94: {  	s6 =	sld [smem:$0x3FFB];
	_ =	sdelay $0x3  }
0x95: {  	_ =	strace s6  }
0x96: {  	s6 =	sld [smem:$0x3FFC];
	_ =	sdelay $0x3  }
0x97: {  	_ =	strace s6  }
0x98: {  	s6 =	sld [smem:$0x3FFD];
	_ =	sdelay $0x3  }
0x99: {  	_ =	strace s6  }
0x9a: {  	_ =	strace $0x8FFFFFFF  }
0x9b: {  	s19 =	sld [smem:$0x3FDB];
	_ =	sdelay $0x1  }
0x9c: {  	s7 =	simm.s32 $_scs_section_size  }
0x9d: {  	s8 =	simm.s32 $_size__tile_overlayer_lowered;
	s9 =	simm.s32 $_tile_overlayer_lowered  }
0x9e: {  	s22 =	simm.s32 $0x1BFF;
	s21 =	sshll.u32 s9, $0x1;
	s6 =	sadd.s32 s7, s19  }
0x9f: {  	s10 =	simm.s32 $0x0;
	s20 =	sshll.u32 s8, $0x1;
	s8 =	sadd.s32 s21, s6  }
0xa0: {  	[timem:s10], [sflag:s22] =	dma.local [hbm:s8], s20  }
0xa1: {  	_ =	swait.ge [sflag:s22], s20  }
0xa2: {  	s7 =	ssub.s32 $0x0, s20;
	[sflag:s22] =	ssyncset.done $0x0  }
0xa3: {  	[sflag:s22] =	ssyncadd.s32 s7;
	_ =	sdelay $0x1  }
0xa4: {  	s23 =	simm.s32 $0x1B8B  }
0xa5: {  	_ =	swait.ge [sflag:s23], $0x1  }
0xa6: {  	[sflag:s23] =	ssyncset.done $0x0  }
0xa7: {  	s25 =	simm.s32 $0x1B8E;
	s24 =	sld [smem:$0x3FFE];
	[sflag:s23] =	ssyncadd.s32 $0xFFFFFFFF  }
0xa8: {  	s26 =	simm.s32 $execute0_lowered;
	[smem:$0x3FD2] =	sst s25  }
0xa9: {  	s8 =	sshll.u32 s26, $0x1;
	_ =	strace $0x80000049;
	[dreg:$0x1] =	wrdreg $0xFFFFFFFF  }
0xaa: {  	s28 =	simm.s32 $_size_execute0_lowered;
	s6 =	sadd.s32 s6, s8;
	[dreg:$0x0] =	wrdreg $0x0  }
0xab: {  	s8 =	sshll.u32 s28, $0x1;
	[dreg:$0x2] =	wrdreg s6  }
0xac: {  	[dreg:$0x3] =	wrdreg s8  }
0xad: {  	[dreg:$0x4] =	wrdreg $0xC0  }
0xae: {  	_ =	task [dreg:s10], $0x5FFFF  }
0xaf: {  	[dreg:$0x1] =	wrdreg $0xFFFFFFFF  }
0xb0: {  	[dreg:$0x0] =	wrdreg $0x60  }
0xb1: {  	[dreg:$0x2] =	wrdreg s4  }
0xb2: {  	[dreg:$0x3] =	wrdreg s18  }
0xb3: {  	[dreg:$0x4] =	wrdreg s5  }
0xb4: {  	[dreg:$0x5] =	wrdreg s2  }
0xb5: {  	[dreg:$0x6] =	wrdreg s24  }
0xb6: {  	[dreg:$0x7] =	wrdreg $0x9  }
0xb7: {  	_ =	task.clear_ibuf [dreg:s10], $0x8FFFF;
	_ =	strace $0x90000049  }
0xb8: {  	s29 =	simm.s32 $0x9;
	_ =	strace $0x8000004B  }
0xb9: {  	_ =	swait.ge [sflag:s29], $0x1  }
0xba: {  	[sflag:s29] =	ssyncadd.s32 $0xFFFFFFFF  }
0xbb: {  	_ =	strace $0x9000004B  }
0xbc: {  	_ =	sfence  }
0xbd: {  	s30 =	sld [smem:$0x0];
	_ =	sdelay $0x2  }
0xbe: {  	s31 =	sshll.u32 s1, $0xD;
	s1 =	sshrl.u32 s1, $0x2  }
0xbf: {  	s3 =	sand.u32 $0x4000, s31;
	s1 =	sadd.s32 s1, s30  }
0xc0: {  	s0 =	sor.u32 s3, s0;
	s1 =	sshll.u32 s1, $0x11  }
0xc1: {  	s0 =	sor.u32 s1, s0  }
0xc2: {  	s0 =	sadd.s32 $0x8F2B, s0  }
0xc3: {  	[sflag:s0] =	ssyncadd.remote.s32 $0x1  }
0xc4: {  	_ =	sfence.sel $0xFFFF  }
0xc5: {  	[dreg:$0x0] =	wrdreg $0xFFFFFFFF;
	(pc) =	sbr.abs _section_cstart, $3  }
0xc6: {  	[dreg:$0x1] =	wrdreg $0xFFFFFFFF  }
0xc7: {  	_ =	task.clear_ibuf [dreg:s10], $0x2FFFF;
	_ =	strace $0x9FFFFFFF  }
0xc8: {  	(tm) =	ssettm $0x7FFFFFFF  }
0xc9: {  	_ =	shalt  }
tec
execute0_lowered:
.L_overlay_start_1:
0x0: {  	(tag) =	ssettag $0x1  }
0x1: {  	s1 =	rddreg [dreg:$0x0]  }
0x2: {  	s2 =	rddreg [dreg:$0x1]  }
0x3: {  	s3 =	rddreg [dreg:$0x2]  }
0x4: {  	s0 =	rddreg [dreg:$0x4];
	s6 =	simm.s32 $0x0;
	s4 =	srdreg.scid  }
0x5: {  	s5 =	stileid.u32;
	s30 =	simm.s32 $0x28F0;
	s31 =	simm.s32 $0x1  }
0x6: {  	s28 =	simm.s32 $0x0;
	[smem:$0x7FF] =	sst s6;
	s7 =	sadd.s32 $0x47400, s0  }
0x7: {  	s4 =	sand.u32 $0x1, s4;
	s5 =	sshll.u32 s5, $0x1;
	s8 =	sadd.s32 $0x3D600, s0  }
0x8: {  	s9 =	sadd.s32 $0x33800, s0;
	s10 =	sadd.s32 $0x29A00, s0;
	s5 =	sor.u32 s4, s5  }
0x9: {  	s11 =	sadd.s32 $0x51200, s0;
	s13 =	sadd.s32 $0x533200, s0;
	s12 =	smul.u32 $0x2710, s5  }
0xa: {  	s14 =	sadd.s32 $0xA15200, s0;
	s15 =	sadd.s32 $0xEF7200, s0;
	s4 =	ssub.s32 $0x2, s4  }
0xb: {  	s5 =	smul.u32 $0x138800, s5;
	s22 =	sshrl.u32 s4, $0x1;
	s23 =	sshrl.u32 s12, $0x3  }
0xc: {  	_ =	strace $0x8000004A;
	s0 =	ssub.s32 s4, s22;
	s16 =	sadd.s32 s7, s23  }
0xd: {  	s5 =	sshrl.u32 s5, $0x3;
	s24 =	sadd.s32 s8, s23;
	[dreg:$0x6] =	wrdreg s16  }
0xe: {  	s5 =	sadd.s32 $0x26C00, s5;
	s25 =	sadd.s32 s9, s23;
	[dreg:$0x7] =	wrdreg s24  }
.Ltmp0:
0xf: {  	s4 =	sadd.s32 s10, s23;
	[dreg:$0x8] =	wrdreg s25;
	(pc) =	sbr.rel .LBB2_1-.Ltmp0, $4  }
0x10: {  	[dreg:$0x9] =	wrdreg s4;
	s26 =	sadd.s32 s11, s5;
	s29 =	sadd.s32 s13, s5  }
0x11: {  	v0 =	vlaneseq.u32;
	s22 =	sadd.s32 s14, s5;
	s23 =	sadd.s32 s15, s5;
	s24 =	smax.u32 s0, $0x1  }
0x12: {  	v1 =	vor.u32 $0x10, v0;
	s25 =	simm.s32 $0x4;
	s0 =	simm.s32 $0x3;
	[dreg:$0xa] =	wrdreg s26  }
0x13: {  	v2 =	vor.u32 $0x20, v0;
	v3 =	vor.u32 $0x30, v0;
	v4 =	vor.u32 $0x40, v0;
	s5 =	simm.s32 $0x50;
	s4 =	simm.s32 $0x2;
	[dreg:$0xb] =	wrdreg s29  }
.LBB2_9:
0x14: {  	_ =	swait.ge [sflag:s4], $0x2800  }
0x15: {  	[sflag:s4] =	ssyncset.done $0x0  }
0x16: {  	[sflag:s4] =	ssyncadd.s32 $0xFFFFD800  }
0x17: {  	_ =	swait.ge [sflag:s4], $0x2800  }
0x18: {  	[sflag:s4] =	ssyncset.done $0x0  }
0x19: {  	[sflag:s4] =	ssyncadd.s32 $0xFFFFD800  }
0x1a: {  	_ =	swait.ge [sflag:s4], $0x2800  }
0x1b: {  	[sflag:s4] =	ssyncset.done $0x0  }
0x1c: {  	[sflag:s4] =	ssyncadd.s32 $0xFFFFD800  }
0x1d: {  	_ =	swait.ge [sflag:s4], $0x2800  }
0x1e: {  	[sflag:s4] =	ssyncset.done $0x0  }
0x1f: {  	s17 =	simm.s32 $0x2A30;
	s16 =	rddreg [dreg:$0xa];
	[sflag:s4] =	ssyncadd.s32 $0xFFFFD800  }
0x20: {  	[hbm4b:s16+s6] =	stream.linear.scatter [tilespmem:s17], [sflag:$0x3], $0x2800, $0x38;
	[tilespmem:$0x16A30] =	vst v63  }
0x21: {  	s21 =	simm.s32 $0x7A30;
	s20 =	rddreg [dreg:$0xb]  }
0x22: {  	[hbm4b:s20+s6] =	stream.linear.scatter [tilespmem:s21], [sflag:$0x3], $0x2800, $0x38;
	[tilespmem:$0x16A30] =	vst v63  }
0x23: {  	s26 =	simm.s32 $0xCA30  }
0x24: {  	[hbm4b:s22+s6] =	stream.linear.scatter [tilespmem:s26], [sflag:$0x3], $0x2800, $0x38;
	[tilespmem:$0x16A30] =	vst v63  }
0x25: {  	s29 =	simm.s32 $0x11A30  }
0x26: {  	[hbm4b:s23+s6] =	stream.linear.scatter [tilespmem:s29], [sflag:$0x3], $0x2800, $0x38;
	[tilespmem:$0x16A30] =	vst v63  }
0x27: {  	_ =	swait.ge [sflag:s0], $0x2800  }
0x28: {  	[sflag:s0] =	ssyncset.done $0x0  }
0x29: {  	[sflag:s0] =	ssyncadd.s32 $0xFFFFD800  }
0x2a: {  	_ =	swait.ge [sflag:s0], $0x2800  }
0x2b: {  	[sflag:s0] =	ssyncset.done $0x0  }
0x2c: {  	[sflag:s0] =	ssyncadd.s32 $0xFFFFD800  }
0x2d: {  	_ =	swait.ge [sflag:s0], $0x2800  }
0x2e: {  	[sflag:s0] =	ssyncset.done $0x0  }
0x2f: {  	[sflag:s0] =	ssyncadd.s32 $0xFFFFD800  }
0x30: {  	_ =	swait.ge [sflag:s0], $0x2800  }
0x31: {  	[sflag:s0] =	ssyncset.done $0x0  }
0x32: {  	[sflag:s0] =	ssyncadd.s32 $0xFFFFD800  }
0x33: {  	_ =	swait.ge [sflag:s0], $0x2800  }
0x34: {  	[sflag:s0] =	ssyncset.done $0x0  }
0x35: {  	[sflag:s0] =	ssyncadd.s32 $0xFFFFD800  }
0x36: {  	_ =	swait.ge [sflag:s0], $0x2800  }
0x37: {  	[sflag:s0] =	ssyncset.done $0x0  }
0x38: {  	s28 =	sadd.s32 $0x1, s28;
	[sflag:s0] =	ssyncadd.s32 $0xFFFFD800  }
0x39: {  	p0 =	sne.s32 s28, s24;
	_ =	swait.ge [sflag:s0], $0x2800  }
.Ltmp1:
0x3a: {  	[sflag:s0] =	ssyncset.done $0x0;
	(pc) =	sbr.rel @!p0 .LBB2_10-.Ltmp1, $4  }
0x3b: {  	[sflag:s0] =	ssyncadd.s32 $0xFFFFD800  }
0x3c: {  	_ =	swait.ge [sflag:s0], $0x2800  }
0x3d: {  	[sflag:s0] =	ssyncset.done $0x0  }
0x3e: {  	[sflag:s0] =	ssyncadd.s32 $0xFFFFD800  }
.LBB2_1:
0x3f: {  	s16 =	rddreg [dreg:$0x3]  }
0x40: {  	[tilespmem:s6], [sflag:$0x4] =	stream.linear.gather [hbm4b:s16+s6], $0x2710, $0x38;
	[tilespmem:$0x16A30] =	vst v63  }
0x41: {  	_ =	swait.ge [sflag:s25], $0x2710  }
0x42: {  	[sflag:s25] =	ssyncset.done $0x0  }
0x43: {  	s17 =	simm.s32 $0x2710;
	s26 =	rddreg [dreg:$0x6];
	[sflag:s25] =	ssyncadd.s32 $0xFFFFD8F0  }
0x44: {  	[tilespmem:s17], [sflag:$0x1] =	stream.linear.gather [hbm4b:s26+s6], $0x50, $0x38;
	[tilespmem:$0x16A30] =	vst v63  }
0x45: {  	s19 =	simm.s32 $0x27B0;
	s18 =	rddreg [dreg:$0x7]  }
0x46: {  	[tilespmem:s19], [sflag:$0x1] =	stream.linear.gather [hbm4b:s18+s6], $0x50, $0x38;
	[tilespmem:$0x16A30] =	vst v63  }
.Ltmp2:
0x47: {  	_ = 	snop;
	(pc) =	sbr.rel .LBB2_2-.Ltmp2, $4  }
0x48: {  	s21 =	simm.s32 $0x2850;
	s20 =	rddreg [dreg:$0x8]  }
0x49: {  	[tilespmem:s21], [sflag:$0x1] =	stream.linear.gather [hbm4b:s20+s6], $0x50, $0x38;
	[tilespmem:$0x16A30] =	vst v63  }
0x4a: {  	s29 =	simm.s32 $0x0;
	s26 =	rddreg [dreg:$0x9]  }
0x4b: {  	[tilespmem:s30], [sflag:$0x1] =	stream.linear.gather [hbm4b:s26+s6], $0x50, $0x38;
	[tilespmem:$0x16A30] =	vst v63  }
.LBB2_5:
0x4c: {  	_ =	swait.ge [sflag:s0], $0x2800  }
0x4d: {  	[sflag:s0] =	ssyncset.done $0x0  }
0x4e: {  	[sflag:s0] =	ssyncadd.s32 $0xFFFFD800  }
0x4f: {  	_ =	swait.ge [sflag:s0], $0x2800  }
0x50: {  	[sflag:s0] =	ssyncset.done $0x0  }
0x51: {  	[sflag:s0] =	ssyncadd.s32 $0xFFFFD800  }
0x52: {  	_ =	swait.ge [sflag:s0], $0x2800  }
0x53: {  	[sflag:s0] =	ssyncset.done $0x0  }
0x54: {  	[sflag:s0] =	ssyncadd.s32 $0xFFFFD800  }
0x55: {  	_ =	swait.ge [sflag:s0], $0x2800  }
0x56: {  	[sflag:s0] =	ssyncset.done $0x0  }
0x57: {  	[sflag:s0] =	ssyncadd.s32 $0xFFFFD800  }
.LBB2_7:
0x58: {  	s19 =	smul.u32 $0x50, s29;
	_ =	sdelay $0x1  }
0x59: {  	s19 =	sadd.s32 s12, s19  }
0x5a: {  	s19 =	sshll.u32 s19, $0x7  }
0x5b: {  	s17 =	smul.u32 $0x2800, s17;
	s19 =	sadd.s32 $0xFFFFD800, s19  }
0x5c: {  	s19 =	sshrl.u32 s19, $0x3  }
0x5d: {  	s21 =	sadd.s32 $0x2A30, s17;
	s20 =	sadd.s32 s11, s19  }
0x5e: {  	[hbm4b:s20+s6] =	stream.linear.scatter [tilespmem:s21], [sflag:$0x3], $0x2800, $0x38;
	[tilespmem:$0x16A30] =	vst v63  }
0x5f: {  	s29 =	sadd.s32 $0x7A30, s17;
	s21 =	sadd.s32 s13, s19  }
0x60: {  	[hbm4b:s21+s6] =	stream.linear.scatter [tilespmem:s29], [sflag:$0x3], $0x2800, $0x38;
	[tilespmem:$0x16A30] =	vst v63  }
0x61: {  	s21 =	sadd.s32 s14, s19;
	s29 =	sadd.s32 $0xCA30, s17  }
0x62: {  	[hbm4b:s21+s6] =	stream.linear.scatter [tilespmem:s29], [sflag:$0x3], $0x2800, $0x38;
	[tilespmem:$0x16A30] =	vst v63  }
0x63: {  	s19 =	sadd.s32 s15, s19;
	s17 =	sadd.s32 $0x11A30, s17  }
0x64: {  	[hbm4b:s19+s6] =	stream.linear.scatter [tilespmem:s17], [sflag:$0x3], $0x2800, $0x38;
	[tilespmem:$0x16A30] =	vst v63  }
.LBB2_8:
0x65: {  	s16 =	smul.u32 $0x2800, s16;
	_ =	sdelay $0x1  }
0x66: {  	s17 =	sadd.s32 $0x2710, s18;
	s19 =	sadd.s32 $0x2A30, s16  }
0x67: {  	[tilespmem:s19], [sflag:$0x2] =	stream.indirect.gather [hbm4b:s1+s5], $0x80, s17, s5, $0xb8;
	[tilespmem:$0x16A30] =	vst v63  }
0x68: {  	s20 =	sadd.s32 $0x2850, s18;
	p0 =	slt.u32 s26, $0x7D;
	s21 =	sadd.s32 $0x7A30, s16  }
0x69: {  	[tilespmem:s21], [sflag:$0x2] =	stream.indirect.gather [hbm4b:s2+s5], $0x80, s20, s5, $0xb8;
	[tilespmem:$0x16A30] =	vst v63  }
.Ltmp3:
0x6a: {  	_ = 	snop;
	(pc) =	sbr.rel @!p0 .LBB2_9-.Ltmp3, $4  }
0x6b: {  	s19 =	sadd.s32 $0x2990, s18;
	s20 =	sadd.s32 $0xCA30, s16  }
0x6c: {  	[tilespmem:s20], [sflag:$0x2] =	stream.indirect.gather [hbm4b:s1+s5], $0x80, s19, s5, $0xb8;
	[tilespmem:$0x16A30] =	vst v63  }
0x6d: {  	s29 =	smov.u32 s26;
	s21 =	sadd.s32 $0x27B0, s18;
	s16 =	sadd.s32 $0x11A30, s16  }
0x6e: {  	[tilespmem:s16], [sflag:$0x2] =	stream.indirect.gather [hbm4b:s3+s5], $0x80, s21, s5, $0xb8;
	[tilespmem:$0x16A30] =	vst v63  }
.LBB2_2:
0x6f: {  	_ =	swait.ge [sflag:s31], $0x50  }
0x70: {  	[sflag:s31] =	ssyncset.done $0x0  }
0x71: {  	[sflag:s31] =	ssyncadd.s32 $0xFFFFFFB0  }
0x72: {  	_ =	swait.ge [sflag:s31], $0x50  }
0x73: {  	[sflag:s31] =	ssyncset.done $0x0  }
0x74: {  	[sflag:s31] =	ssyncadd.s32 $0xFFFFFFB0  }
0x75: {  	_ =	swait.ge [sflag:s31], $0x50  }
0x76: {  	[sflag:s31] =	ssyncset.done $0x0  }
0x77: {  	[sflag:s31] =	ssyncadd.s32 $0xFFFFFFB0  }
0x78: {  	_ =	swait.ge [sflag:s31], $0x50  }
0x79: {  	p0 =	seq.s32 s29, $0x0;
	[sflag:s31] =	ssyncset.done $0x0  }
0x7a: {  	s18 =	simm.s32 @!p0 $0x2;
	[sflag:s31] =	ssyncadd.s32 $0xFFFFFFB0  }
0x7b: {  	_ =	swait.ge @!p0 [sflag:s18], $0x2800  }
0x7c: {  	[sflag:s18] =	ssyncset.done @!p0 $0x0  }
0x7d: {  	[sflag:s18] =	ssyncadd.s32 @!p0 $0xFFFFD800  }
0x7e: {  	_ =	swait.ge @!p0 [sflag:s18], $0x2800  }
0x7f: {  	[sflag:s18] =	ssyncset.done @!p0 $0x0  }
0x80: {  	p1 =	seq.s32 @!p0 s29, $0x7C;
	[sflag:s18] =	ssyncadd.s32 @!p0 $0xFFFFD800  }
0x81: {  	p1 =	por p0, !p1;
	_ =	swait.ge @!p0 [sflag:s18], $0x2800  }
.Ltmp4:
0x82: {  	[sflag:s18] =	ssyncset.done @!p0 $0x0;
	(pc) =	sbr.rel @!p1 .LBB2_4-.Ltmp4, $4  }
0x83: {  	[sflag:s18] =	ssyncadd.s32 @!p0 $0xFFFFD800  }
0x84: {  	_ =	swait.ge @!p0 [sflag:s18], $0x2800  }
0x85: {  	s16 =	sand.u32 $0x1, s29;
	[sflag:s18] =	ssyncset.done @!p0 $0x0  }
0x86: {  	s17 =	sxor.u32 $0x1, s16;
	s26 =	simm.s32 @!p0 $0x7D;
	[sflag:s18] =	ssyncadd.s32 @!p0 $0xFFFFD800  }
0x87: {  	s26 =	sadd.s32 @!p0 $0x1, s29  }
0x88: {  	s26 =	simm.s32 @p0 $0x1  }
0x89: {  	s18 =	smul.u32 $0x50, s26;
	_ =	sdelay $0x1  }
0x8a: {  	s19 =	smul.u32 $0x50, s17;
	s18 =	sadd.s32 s12, s18  }
0x8b: {  	s18 =	sshrl.u32 s18, $0x3  }
0x8c: {  	s20 =	sadd.s32 $0x2710, s19;
	s21 =	sadd.s32 s7, s18  }
0x8d: {  	[tilespmem:s20], [sflag:$0x1] =	stream.linear.gather [hbm4b:s21+s6], $0x50, $0x38;
	[tilespmem:$0x16A30] =	vst v63  }
0x8e: {  	s20 =	sadd.s32 $0x27B0, s19;
	s21 =	sadd.s32 s8, s18  }
0x8f: {  	[tilespmem:s20], [sflag:$0x1] =	stream.linear.gather [hbm4b:s21+s6], $0x50, $0x38;
	[tilespmem:$0x16A30] =	vst v63  }
0x90: {  	s20 =	sadd.s32 $0x2850, s19;
	s21 =	sadd.s32 s9, s18  }
0x91: {  	[tilespmem:s20], [sflag:$0x1] =	stream.linear.gather [hbm4b:s21+s6], $0x50, $0x38;
	[tilespmem:$0x16A30] =	vst v63  }
0x92: {  	s19 =	sadd.s32 $0x28F0, s19;
	s18 =	sadd.s32 s10, s18  }
0x93: {  	[tilespmem:s19], [sflag:$0x1] =	stream.linear.gather [hbm4b:s18+s6], $0x50, $0x38;
	[tilespmem:$0x16A30] =	vst v63  }
.LBB2_4:
0x94: {  	v5 =	vmov s16  }
0x95: {  	v5 =	vmul.u32 $0x50, v5;
	_ =	sdelay $0x1  }
0x96: {  	v5 =	vbroadcast v5, $0x0;
	_ =	sdelay $0x1  }
0x97: {  	v6 =	vor.u32 v0, v5;
	_ =	sdelay $0x4  }
0x98: {  	v6 =	vld.idx.msk [tilespmem:v6+s30+$0x0], $0xffff;
	_ =	sdelay $0x7  }
0x99: {  	v6 =	vld.idx.msk [tilespmem:v6+s6+$0x0], $0xffff  }
0x9a: {  	v7 =	vadd.s32 v1, v5;
	_ =	sdelay $0x1  }
0x9b: {  	s18 =	smul.u32 $0x50, s16;
	_ =	sdelay $0x1  }
0x9c: {  	[tilespmem:s18+$0x2990] =	vst v6  }
0x9d: {  	v6 =	vld.idx.msk [tilespmem:v7+s30+$0x0], $0xffff;
	_ =	sdelay $0x7  }
0x9e: {  	v6 =	vld.idx.msk [tilespmem:v6+s6+$0x0], $0xffff  }
0x9f: {  	v7 =	vadd.s32 v2, v5;
	_ =	sdelay $0x3  }
0xa0: {  	[tilespmem:s18+$0x29A0] =	vst v6  }
0xa1: {  	v6 =	vld.idx.msk [tilespmem:v7+s30+$0x0], $0xffff;
	_ =	sdelay $0x7  }
0xa2: {  	v6 =	vld.idx.msk [tilespmem:v6+s6+$0x0], $0xffff  }
0xa3: {  	v7 =	vadd.s32 v3, v5;
	_ =	sdelay $0x3  }
0xa4: {  	[tilespmem:s18+$0x29B0] =	vst v6  }
0xa5: {  	v6 =	vld.idx.msk [tilespmem:v7+s30+$0x0], $0xffff;
	_ =	sdelay $0x7  }
0xa6: {  	v6 =	vld.idx.msk [tilespmem:v6+s6+$0x0], $0xffff  }
0xa7: {  	v5 =	vadd.s32 v4, v5;
	_ =	sdelay $0x3  }
0xa8: {  	[tilespmem:s18+$0x29C0] =	vst v6  }
0xa9: {  	v5 =	vld.idx.msk [tilespmem:v5+s30+$0x0], $0xffff;
	_ =	sdelay $0x7  }
0xaa: {  	p1 =	slt.u32 s29, $0x2;
	v5 =	vld.idx.msk [tilespmem:v5+s6+$0x0], $0xffff  }
.Ltmp5:
0xab: {  	_ = 	snop;
	(pc) =	sbr.rel @!p1 .LBB2_5-.Ltmp5, $2  }
0xac: {  	_ =	sdelay $0x2  }
0xad: {  	[tilespmem:s18+$0x29D0] =	vst v5  }
.Ltmp6:
0xae: {  	(pc) =	sbr.rel @!p0 .LBB2_7-.Ltmp6, $4  }
.Ltmp7:
0xaf: {  	(pc) =	sbr.rel @p0 .LBB2_8-.Ltmp7, $4  }
0xb0: {  	_ = 	snop  }
0xb1: {  	_ = 	snop  }
0xb2: {  	_ = 	snop  }
0xb3: {  	_ = 	snop  }
.LBB2_10:
0xb4: {  	_ =	sfence.sel $0x180000  }
0xb5: {  	[bflag:$0x0] =	sbarrier.arrive $0xFFFF  }
0xb6: {  	_ =	strace $0x9000004A  }
0xb7: {  	s0 =	stileid.u32;
	[bflag:$0x2] =	sbarrier.arrive $0xFFFF  }
0xb8: {  	p0 =	sne.s32 s0, $0x0;
	s0 =	rddreg [dreg:$0x5]  }
0xb9: {  	s0 =	sadd.s32 @!p0 $0x100000, s0  }
0xba: {  	[sflag:s0] =	ssyncadd.tile.s32 @!p0 $0x1;
	_ =	shalt  }
.Lfunc_end2:
_tile_overlayer_lowered:
.L_overlay_start_2:
0xbb: {  	(tag) =	ssettag $0x2  }
0xbc: {  	s0 =	rddreg [dreg:$0x0];
	s2 =	stileid.u32  }
0xbd: {  	s1 =	rddreg [dreg:$0x1];
	p0 =	sne.s32 s2, $0x0  }
0xbe: {  	s3 =	rddreg [dreg:$0x2];
	[bflag:$0x3] =	sbarrier.arrive $0xFFFF;
	s2 =	simm.s32 @!p0 $0x1C04  }
0xbf: {  	[timem:s3], [sflag:s2] =	dma.local @!p0 [hbm:s0], s1  }
0xc0: {  	s0 =	simm.s32 @!p0 $0x4  }
0xc1: {  	_ =	swait.ge @!p0 [sflag:s0], s1  }
0xc2: {  	s1 =	ssub.s32 @!p0 $0x0, s1;
	[sflag:s0] =	ssyncset.done @!p0 $0x0  }
0xc3: {  	[sflag:s0] =	ssyncadd.s32 @!p0 s1  }
0xc4: {  	[bflag:$0x3] =	sbarrier.arrive $0xFFFF  }
0xc5: {  	_ =	shalt  }

</sc_bundles>
